<compile_context>
chip_gen: v7x
topology: tpu7x:2x2x1
jax: 0.10.2.dev20260603
libtpu: 0.0.44.dev20260713+nightly
codegen_flags: <defaults>
</compile_context>

<pallas_src>
import functools

import jax
import jax.numpy as jnp
from jax import lax
from jax.experimental import pallas as pl
from jax.experimental.pallas import tpu as pltpu
from jax.experimental.pallas import tpu_sc as plsc

N_ETHNICITIES = 1000
EMBED_DIM = 32
BATCH = 16384

_info = plsc.get_sparse_core_info()
_NC, _NS, _L = _info.num_cores, _info.num_subcores, _info.num_lanes
_NW = _NC * _NS
_B_PER_W = BATCH // _NW
_N_GROUPS = _B_PER_W // _L
_TR = EMBED_DIM // 8
_TC = BATCH // 128
_TC_PER_W = _B_PER_W // 128


@functools.partial(
    pl.kernel,
    mesh=plsc.VectorSubcoreMesh(core_axis_name="c", subcore_axis_name="s"),
    out_type=jax.ShapeDtypeStruct((_TR, _TC, 8, 128), jnp.float32),
    scratch_types=[
        pltpu.VMEM((_B_PER_W,), jnp.int32),
        pltpu.VMEM((_B_PER_W, EMBED_DIM), jnp.float32),
        pltpu.VMEM((EMBED_DIM, _B_PER_W), jnp.float32),
        pltpu.SemaphoreType.DMA,
        pltpu.SemaphoreType.DMA,
    ],
    compiler_params=pltpu.CompilerParams(
        use_tc_tiling_on_sc=False,
        needs_layout_passes=False,
    ),
)
def _lookup_kernel(idx_hbm, table_hbm, out_hbm, idx_v, rows_v, trows_v, sem, so):
    wid = lax.axis_index("s") * _NC + lax.axis_index("c")
    base = wid * _B_PER_W
    pltpu.sync_copy(idx_hbm.at[pl.ds(base, _B_PER_W)], idx_v)
    pltpu.async_copy(table_hbm.at[idx_v], rows_v, sem).wait()

    lanes = lax.iota(jnp.int32, _L)

    def body(g, _):
        bvec = g * _L + lanes

        def dbody(d8, _):
            for u in range(8):
                dvec = jnp.bitwise_and(d8 * 8 + u + lanes, EMBED_DIM - 1)
                vals = plsc.load_gather(rows_v, [bvec, dvec])
                plsc.store_scatter(trows_v, [dvec, bvec], vals)
            return ()

        lax.fori_loop(0, EMBED_DIM // 8, dbody, ())
        return ()

    lax.fori_loop(0, _N_GROUPS, body, ())

    copies = []
    for i in range(_TR):
        for jl in range(_TC_PER_W):
            copies.append(
                pltpu.async_copy(
                    trows_v.at[pl.ds(8 * i, 8), pl.ds(jl * 128, 128)],
                    out_hbm.at[i, wid * _TC_PER_W + jl],
                    so,
                )
            )
    for cp in copies:
        cp.wait()


def kernel(ethnicity_idx, embedding_table):
    chunks = _lookup_kernel(ethnicity_idx.astype(jnp.int32), embedding_table)
    return chunks.transpose(1, 3, 0, 2).reshape(BATCH, EMBED_DIM)

# --- scband reference (transcript-rebuilt; emitter-appended) ---
"""Pipeline reference for scband-ethnicity-embedding-34711925686415 (READ-ONLY COPY).

The authoritative reference and input builder live on the scoring server;
editing this copy changes nothing except your own understanding.
"""

import jax, jax.numpy as jnp
import numpy as np

N_ETHNICITIES = 1000
EMBED_DIM = 32
BATCH = 16384

def setup_inputs(seed: int = 0) -> dict:
    key = jax.random.key(seed)
    k_idx, k_tab = jax.random.split(key)
    ethnicity_idx = jax.random.randint(k_idx, (BATCH,), 0, N_ETHNICITIES, dtype=jnp.int64 if jax.config.jax_enable_x64 else jnp.int32)
    # nn.Embedding default init: N(0, 1)
    embedding_table = jax.random.normal(k_tab, (N_ETHNICITIES, EMBED_DIM), dtype=jnp.float32)
    return {"ethnicity_idx": ethnicity_idx, "embedding_table": embedding_table}

def reference(ethnicity_idx, embedding_table):
    # Faithful translation of nn.Embedding lookup: table[idx]
    return jnp.take(embedding_table, ethnicity_idx, axis=0)

if __name__ == "__main__":
    import jax
    _d = setup_inputs()
    print(jax.jit(kernel)(*tuple(_d.values())))

</pallas_src>

<mosaic_0001>
#map = affine_map<(d0, d1) -> (0)>
#map1 = affine_map<(d0, d1) -> (0, 0)>
#map2 = affine_map<(d0, d1) -> (0, 0, 0, 0)>
module attributes {stable_mosaic.version = 14 : i64} {
  func.func @_lookup_kernel(%arg0: i32, %arg1: i32, %arg2: memref<16384xi32, #tpu.memory_space<hbm>>, %arg3: memref<1000x32xf32, #tpu.memory_space<hbm>>, %arg4: memref<4x128x8x128xf32, #tpu.memory_space<hbm>>, %arg5: memref<512xi32, #tpu.memory_space<vmem>>, %arg6: memref<512x32xf32, #tpu.memory_space<vmem>>, %arg7: memref<32x512xf32, #tpu.memory_space<vmem>>, %arg8: memref<!tpu.dma_semaphore, #tpu.memory_space<semaphore_mem>>, %arg9: memref<!tpu.dma_semaphore, #tpu.memory_space<semaphore_mem>>) attributes {dimension_semantics = [#tpu.dimension_semantics<core_parallel>, #tpu.dimension_semantics<subcore_parallel>], iteration_bounds = array<i64: 2, 16>, scalar_prefetch = 0 : i64, scratch_operands = 5 : i64, tpu.core_type = #tpu.core_type<sc_vector_subcore>, window_params = [{transform_indices = #map}, {transform_indices = #map1}, {transform_indices = #map2}]} {
    %mul3A = arith.constant 2 : i32
    %mul3A_0 = arith.muli %arg1, %mul3A : i32
    %add3A = arith.addi %mul3A_0, %arg0 : i32
    %mul3A_1 = arith.constant 512 : i32
    %mul3A_2 = arith.muli %add3A, %mul3A_1 : i32
    "tpu.region"() ({
      %run_scoped3A = tpu.sem_alloc : memref<!tpu.dma_semaphore, #tpu.memory_space<semaphore_mem>>
      %dma_start3A_555 = tpu.memref_slice %arg2[%mul3A_2] : memref<16384xi32, #tpu.memory_space<hbm>> -> memref<512xi32, #tpu.memory_space<hbm>>
      %dma_start3A_556 = tpu.memref_slice %arg2[%mul3A_2] : memref<16384xi32, #tpu.memory_space<hbm>> -> memref<512xi32, #tpu.memory_space<hbm>>
      tpu.enqueue_dma source(%dma_start3A_556 : memref<512xi32, #tpu.memory_space<hbm>>) target(%arg5 : memref<512xi32, #tpu.memory_space<vmem>>) target_semaphore(%run_scoped3A : memref<!tpu.dma_semaphore, #tpu.memory_space<semaphore_mem>>)
      %dma_wait3A_557 = tpu.memref_slice %arg2[%mul3A_2] : memref<16384xi32, #tpu.memory_space<hbm>> -> memref<512xi32, #tpu.memory_space<hbm>>
      %dma_wait3A_558 = tpu.memref_slice %arg2[%mul3A_2] : memref<16384xi32, #tpu.memory_space<hbm>> -> memref<512xi32, #tpu.memory_space<hbm>>
      tpu.wait_dma2 semaphore(%run_scoped3A : memref<!tpu.dma_semaphore, #tpu.memory_space<semaphore_mem>>) src(%dma_wait3A_558 : memref<512xi32, #tpu.memory_space<hbm>>) dst(%arg5 : memref<512xi32, #tpu.memory_space<vmem>>)
      tpu.yield
    }) : () -> ()
    %dma_start3A = arith.constant 0 : i32
    %dma_start3A_3 = arith.constant 0 : i32
    %dma_start3A_4 = tpu.memref_slice %arg3[%dma_start3A, %dma_start3A_3] : memref<1000x32xf32, #tpu.memory_space<hbm>> -> memref<1000x32xf32, #tpu.memory_space<hbm>>
    tpu.enqueue_indirect_dma source(%dma_start3A_4 : memref<1000x32xf32, #tpu.memory_space<hbm>>) target(%arg6 : memref<512x32xf32, #tpu.memory_space<vmem>>) offsets(%arg5 : memref<512xi32, #tpu.memory_space<vmem>>) semaphore(%arg8 : memref<!tpu.dma_semaphore, #tpu.memory_space<semaphore_mem>>)
    %dma_wait3A = arith.constant 0 : i32
    %dma_wait3A_5 = arith.constant 0 : i32
    %dma_wait3A_6 = tpu.memref_slice %arg3[%dma_wait3A, %dma_wait3A_5] : memref<1000x32xf32, #tpu.memory_space<hbm>> -> memref<1000x32xf32, #tpu.memory_space<hbm>>
    tpu.wait_indirect_dma semaphore(%arg8 : memref<!tpu.dma_semaphore, #tpu.memory_space<semaphore_mem>>) src(%dma_wait3A_6 : memref<1000x32xf32, #tpu.memory_space<hbm>>) dst(%arg6 : memref<512x32xf32, #tpu.memory_space<vmem>>)
    %iota3A = tpu.iota {dimensions = array<i32: 0>} : vector<16xi32>
    %scan3A = arith.constant 0 : i32
    %scan3A_7 = arith.constant 32 : i32
    %scan3A_8 = arith.addi %scan3A, %scan3A_7 : i32
    %scan3A_9 = arith.constant 1 : i32
    scf.for %scan3A_555 = %scan3A to %scan3A_8 step %scan3A_9  : i32 {
      %mul3A_556 = arith.constant 16 : i32
      %mul3A_557 = arith.muli %scan3A_555, %mul3A_556 : i32
      %add3A_558 = vector.broadcast %mul3A_557 : i32 to vector<16xi32>
      %add3A_559 = arith.addi %add3A_558, %iota3A : vector<16xi32>
      %scan3A_560 = arith.constant 0 : i32
      %scan3A_561 = arith.constant 4 : i32
      %scan3A_562 = arith.addi %scan3A_560, %scan3A_561 : i32
      %scan3A_563 = arith.constant 1 : i32
      scf.for %scan3A_565 = %scan3A_560 to %scan3A_562 step %scan3A_563  : i32 {
        %mul3A_566 = arith.constant 8 : i32
        %mul3A_567 = arith.muli %scan3A_565, %mul3A_566 : i32
        %add3A_568 = arith.constant 0 : i32
        %add3A_569 = arith.addi %mul3A_567, %add3A_568 : i32
        %add3A_570 = vector.broadcast %add3A_569 : i32 to vector<16xi32>
        %add3A_571 = arith.addi %add3A_570, %iota3A : vector<16xi32>
        %and3A = arith.constant 31 : i32
        %and3A_572 = vector.broadcast %and3A : i32 to vector<16xi32>
        %and3A_573 = arith.andi %add3A_571, %and3A_572 : vector<16xi32>
        %gather3A = tpu.vector_load_idx %arg6[%add3A_559, %and3A_573] : memref<512x32xf32, #tpu.memory_space<vmem>>[vector<16xi32>, vector<16xi32>], vector<16xf32>,
        tpu.vector_store_idx %arg7[%and3A_573, %add3A_559], %gather3A : memref<32x512xf32, #tpu.memory_space<vmem>>[vector<16xi32>, vector<16xi32>], vector<16xf32>,
        %mul3A_574 = arith.constant 8 : i32
        %mul3A_575 = arith.muli %scan3A_565, %mul3A_574 : i32
        %add3A_576 = arith.constant 1 : i32
        %add3A_577 = arith.addi %mul3A_575, %add3A_576 : i32
        %add3A_578 = vector.broadcast %add3A_577 : i32 to vector<16xi32>
        %add3A_579 = arith.addi %add3A_578, %iota3A : vector<16xi32>
        %and3A_580 = arith.constant 31 : i32
        %and3A_581 = vector.broadcast %and3A_580 : i32 to vector<16xi32>
        %and3A_582 = arith.andi %add3A_579, %and3A_581 : vector<16xi32>
        %gather3A_583 = tpu.vector_load_idx %arg6[%add3A_559, %and3A_582] : memref<512x32xf32, #tpu.memory_space<vmem>>[vector<16xi32>, vector<16xi32>], vector<16xf32>,
        tpu.vector_store_idx %arg7[%and3A_582, %add3A_559], %gather3A_583 : memref<32x512xf32, #tpu.memory_space<vmem>>[vector<16xi32>, vector<16xi32>], vector<16xf32>,
        %mul3A_584 = arith.constant 8 : i32
        %mul3A_585 = arith.muli %scan3A_565, %mul3A_584 : i32
        %add3A_586 = arith.constant 2 : i32
        %add3A_587 = arith.addi %mul3A_585, %add3A_586 : i32
        %add3A_588 = vector.broadcast %add3A_587 : i32 to vector<16xi32>
        %add3A_589 = arith.addi %add3A_588, %iota3A : vector<16xi32>
        %and3A_590 = arith.constant 31 : i32
        %and3A_591 = vector.broadcast %and3A_590 : i32 to vector<16xi32>
        %and3A_592 = arith.andi %add3A_589, %and3A_591 : vector<16xi32>
        %gather3A_593 = tpu.vector_load_idx %arg6[%add3A_559, %and3A_592] : memref<512x32xf32, #tpu.memory_space<vmem>>[vector<16xi32>, vector<16xi32>], vector<16xf32>,
        tpu.vector_store_idx %arg7[%and3A_592, %add3A_559], %gather3A_593 : memref<32x512xf32, #tpu.memory_space<vmem>>[vector<16xi32>, vector<16xi32>], vector<16xf32>,
        %mul3A_594 = arith.constant 8 : i32
        %mul3A_595 = arith.muli %scan3A_565, %mul3A_594 : i32
        %add3A_596 = arith.constant 3 : i32
        %add3A_597 = arith.addi %mul3A_595, %add3A_596 : i32
        %add3A_598 = vector.broadcast %add3A_597 : i32 to vector<16xi32>
        %add3A_599 = arith.addi %add3A_598, %iota3A : vector<16xi32>
        %and3A_600 = arith.constant 31 : i32
        %and3A_601 = vector.broadcast %and3A_600 : i32 to vector<16xi32>
        %and3A_602 = arith.andi %add3A_599, %and3A_601 : vector<16xi32>
        %gather3A_603 = tpu.vector_load_idx %arg6[%add3A_559, %and3A_602] : memref<512x32xf32, #tpu.memory_space<vmem>>[vector<16xi32>, vector<16xi32>], vector<16xf32>,
        tpu.vector_store_idx %arg7[%and3A_602, %add3A_559], %gather3A_603 : memref<32x512xf32, #tpu.memory_space<vmem>>[vector<16xi32>, vector<16xi32>], vector<16xf32>,
        %mul3A_604 = arith.constant 8 : i32
        %mul3A_605 = arith.muli %scan3A_565, %mul3A_604 : i32
        %add3A_606 = arith.constant 4 : i32
        %add3A_607 = arith.addi %mul3A_605, %add3A_606 : i32
        %add3A_608 = vector.broadcast %add3A_607 : i32 to vector<16xi32>
        %add3A_609 = arith.addi %add3A_608, %iota3A : vector<16xi32>
        %and3A_610 = arith.constant 31 : i32
        %and3A_611 = vector.broadcast %and3A_610 : i32 to vector<16xi32>
        %and3A_612 = arith.andi %add3A_609, %and3A_611 : vector<16xi32>
        %gather3A_613 = tpu.vector_load_idx %arg6[%add3A_559, %and3A_612] : memref<512x32xf32, #tpu.memory_space<vmem>>[vector<16xi32>, vector<16xi32>], vector<16xf32>,
        tpu.vector_store_idx %arg7[%and3A_612, %add3A_559], %gather3A_613 : memref<32x512xf32, #tpu.memory_space<vmem>>[vector<16xi32>, vector<16xi32>], vector<16xf32>,
        %mul3A_614 = arith.constant 8 : i32
        %mul3A_615 = arith.muli %scan3A_565, %mul3A_614 : i32
        %add3A_616 = arith.constant 5 : i32
        %add3A_617 = arith.addi %mul3A_615, %add3A_616 : i32
        %add3A_618 = vector.broadcast %add3A_617 : i32 to vector<16xi32>
        %add3A_619 = arith.addi %add3A_618, %iota3A : vector<16xi32>
        %and3A_620 = arith.constant 31 : i32
        %and3A_621 = vector.broadcast %and3A_620 : i32 to vector<16xi32>
        %and3A_622 = arith.andi %add3A_619, %and3A_621 : vector<16xi32>
        %gather3A_623 = tpu.vector_load_idx %arg6[%add3A_559, %and3A_622] : memref<512x32xf32, #tpu.memory_space<vmem>>[vector<16xi32>, vector<16xi32>], vector<16xf32>,
        tpu.vector_store_idx %arg7[%and3A_622, %add3A_559], %gather3A_623 : memref<32x512xf32, #tpu.memory_space<vmem>>[vector<16xi32>, vector<16xi32>], vector<16xf32>,
        %mul3A_624 = arith.constant 8 : i32
        %mul3A_625 = arith.muli %scan3A_565, %mul3A_624 : i32
        %add3A_626 = arith.constant 6 : i32
        %add3A_627 = arith.addi %mul3A_625, %add3A_626 : i32
        %add3A_628 = vector.broadcast %add3A_627 : i32 to vector<16xi32>
        %add3A_629 = arith.addi %add3A_628, %iota3A : vector<16xi32>
        %and3A_630 = arith.constant 31 : i32
        %and3A_631 = vector.broadcast %and3A_630 : i32 to vector<16xi32>
        %and3A_632 = arith.andi %add3A_629, %and3A_631 : vector<16xi32>
        %gather3A_633 = tpu.vector_load_idx %arg6[%add3A_559, %and3A_632] : memref<512x32xf32, #tpu.memory_space<vmem>>[vector<16xi32>, vector<16xi32>], vector<16xf32>,
        tpu.vector_store_idx %arg7[%and3A_632, %add3A_559], %gather3A_633 : memref<32x512xf32, #tpu.memory_space<vmem>>[vector<16xi32>, vector<16xi32>], vector<16xf32>,
        %mul3A_634 = arith.constant 8 : i32
        %mul3A_635 = arith.muli %scan3A_565, %mul3A_634 : i32
        %add3A_636 = arith.constant 7 : i32
        %add3A_637 = arith.addi %mul3A_635, %add3A_636 : i32
        %add3A_638 = vector.broadcast %add3A_637 : i32 to vector<16xi32>
        %add3A_639 = arith.addi %add3A_638, %iota3A : vector<16xi32>
        %and3A_640 = arith.constant 31 : i32
        %and3A_641 = vector.broadcast %and3A_640 : i32 to vector<16xi32>
        %and3A_642 = arith.andi %add3A_639, %and3A_641 : vector<16xi32>
        %gather3A_643 = tpu.vector_load_idx %arg6[%add3A_559, %and3A_642] : memref<512x32xf32, #tpu.memory_space<vmem>>[vector<16xi32>, vector<16xi32>], vector<16xf32>,
        tpu.vector_store_idx %arg7[%and3A_642, %add3A_559], %gather3A_643 : memref<32x512xf32, #tpu.memory_space<vmem>>[vector<16xi32>, vector<16xi32>], vector<16xf32>,
      }
      %scan3A_564 = arith.constant 4 : i32
    }
    %scan3A_10 = arith.constant 32 : i32
    %mul3A_11 = arith.constant 4 : i32
    %mul3A_12 = arith.muli %add3A, %mul3A_11 : i32
    %add3A_13 = arith.constant 0 : i32
    %add3A_14 = arith.addi %mul3A_12, %add3A_13 : i32
    %dma_start3A_15 = arith.constant 0 : i32
    %dma_start3A_16 = arith.constant 0 : i32
    %dma_start3A_17 = arith.constant 0 : i32
    %dma_start3A_18 = tpu.memref_slice %arg7[%dma_start3A_16, %dma_start3A_17] : memref<32x512xf32, #tpu.memory_space<vmem>> -> memref<8x128xf32, #tpu.memory_space<vmem>>
    %dma_start3A_19 = arith.constant 0 : i32
    %dma_start3A_20 = arith.constant 0 : i32
    %dma_start3A_21 = tpu.memref_slice %arg4[%dma_start3A_15, %add3A_14, %dma_start3A_19, %dma_start3A_20] : memref<4x128x8x128xf32, #tpu.memory_space<hbm>> -> memref<1x1x8x128xf32, #tpu.memory_space<hbm>>
    %dma_start3A_22 = tpu.memref_squeeze %dma_start3A_21 : memref<1x1x8x128xf32, #tpu.memory_space<hbm>> -> memref<8x128xf32, #tpu.memory_space<hbm>>
    %dma_start3A_23 = arith.constant 0 : i32
    %dma_start3A_24 = arith.constant 0 : i32
    %dma_start3A_25 = tpu.memref_slice %arg4[%dma_start3A_15, %add3A_14, %dma_start3A_23, %dma_start3A_24] : memref<4x128x8x128xf32, #tpu.memory_space<hbm>> -> memref<1x1x8x128xf32, #tpu.memory_space<hbm>>
    %dma_start3A_26 = tpu.memref_squeeze %dma_start3A_25 : memref<1x1x8x128xf32, #tpu.memory_space<hbm>> -> memref<8x128xf32, #tpu.memory_space<hbm>>
    %dma_start3A_27 = arith.constant 0 : i32
    %dma_start3A_28 = arith.constant 0 : i32
    %dma_start3A_29 = tpu.memref_slice %arg7[%dma_start3A_27, %dma_start3A_28] : memref<32x512xf32, #tpu.memory_space<vmem>> -> memref<8x128xf32, #tpu.memory_space<vmem>>
    tpu.enqueue_dma source(%dma_start3A_29 : memref<8x128xf32, #tpu.memory_space<vmem>>) target(%dma_start3A_26 : memref<8x128xf32, #tpu.memory_space<hbm>>) target_semaphore(%arg9 : memref<!tpu.dma_semaphore, #tpu.memory_space<semaphore_mem>>)
    %mul3A_30 = arith.constant 4 : i32
    %mul3A_31 = arith.muli %add3A, %mul3A_30 : i32
    %add3A_32 = arith.constant 1 : i32
    %add3A_33 = arith.addi %mul3A_31, %add3A_32 : i32
    %dma_start3A_34 = arith.constant 0 : i32
    %dma_start3A_35 = arith.constant 0 : i32
    %dma_start3A_36 = arith.constant 128 : i32
    %dma_start3A_37 = tpu.memref_slice %arg7[%dma_start3A_35, %dma_start3A_36] : memref<32x512xf32, #tpu.memory_space<vmem>> -> memref<8x128xf32, #tpu.memory_space<vmem>>
    %dma_start3A_38 = arith.constant 0 : i32
    %dma_start3A_39 = arith.constant 0 : i32
    %dma_start3A_40 = tpu.memref_slice %arg4[%dma_start3A_34, %add3A_33, %dma_start3A_38, %dma_start3A_39] : memref<4x128x8x128xf32, #tpu.memory_space<hbm>> -> memref<1x1x8x128xf32, #tpu.memory_space<hbm>>
    %dma_start3A_41 = tpu.memref_squeeze %dma_start3A_40 : memref<1x1x8x128xf32, #tpu.memory_space<hbm>> -> memref<8x128xf32, #tpu.memory_space<hbm>>
    %dma_start3A_42 = arith.constant 0 : i32
    %dma_start3A_43 = arith.constant 0 : i32
    %dma_start3A_44 = tpu.memref_slice %arg4[%dma_start3A_34, %add3A_33, %dma_start3A_42, %dma_start3A_43] : memref<4x128x8x128xf32, #tpu.memory_space<hbm>> -> memref<1x1x8x128xf32, #tpu.memory_space<hbm>>
    %dma_start3A_45 = tpu.memref_squeeze %dma_start3A_44 : memref<1x1x8x128xf32, #tpu.memory_space<hbm>> -> memref<8x128xf32, #tpu.memory_space<hbm>>
    %dma_start3A_46 = arith.constant 0 : i32
    %dma_start3A_47 = arith.constant 128 : i32
    %dma_start3A_48 = tpu.memref_slice %arg7[%dma_start3A_46, %dma_start3A_47] : memref<32x512xf32, #tpu.memory_space<vmem>> -> memref<8x128xf32, #tpu.memory_space<vmem>>
    tpu.enqueue_dma source(%dma_start3A_48 : memref<8x128xf32, #tpu.memory_space<vmem>>) target(%dma_start3A_45 : memref<8x128xf32, #tpu.memory_space<hbm>>) target_semaphore(%arg9 : memref<!tpu.dma_semaphore, #tpu.memory_space<semaphore_mem>>)
    %mul3A_49 = arith.constant 4 : i32
    %mul3A_50 = arith.muli %add3A, %mul3A_49 : i32
    %add3A_51 = arith.constant 2 : i32
    %add3A_52 = arith.addi %mul3A_50, %add3A_51 : i32
    %dma_start3A_53 = arith.constant 0 : i32
    %dma_start3A_54 = arith.constant 0 : i32
    %dma_start3A_55 = arith.constant 256 : i32
    %dma_start3A_56 = tpu.memref_slice %arg7[%dma_start3A_54, %dma_start3A_55] : memref<32x512xf32, #tpu.memory_space<vmem>> -> memref<8x128xf32, #tpu.memory_space<vmem>>
    %dma_start3A_57 = arith.constant 0 : i32
    %dma_start3A_58 = arith.constant 0 : i32
    %dma_start3A_59 = tpu.memref_slice %arg4[%dma_start3A_53, %add3A_52, %dma_start3A_57, %dma_start3A_58] : memref<4x128x8x128xf32, #tpu.memory_space<hbm>> -> memref<1x1x8x128xf32, #tpu.memory_space<hbm>>
    %dma_start3A_60 = tpu.memref_squeeze %dma_start3A_59 : memref<1x1x8x128xf32, #tpu.memory_space<hbm>> -> memref<8x128xf32, #tpu.memory_space<hbm>>
    %dma_start3A_61 = arith.constant 0 : i32
    %dma_start3A_62 = arith.constant 0 : i32
    %dma_start3A_63 = tpu.memref_slice %arg4[%dma_start3A_53, %add3A_52, %dma_start3A_61, %dma_start3A_62] : memref<4x128x8x128xf32, #tpu.memory_space<hbm>> -> memref<1x1x8x128xf32, #tpu.memory_space<hbm>>
    %dma_start3A_64 = tpu.memref_squeeze %dma_start3A_63 : memref<1x1x8x128xf32, #tpu.memory_space<hbm>> -> memref<8x128xf32, #tpu.memory_space<hbm>>
    %dma_start3A_65 = arith.constant 0 : i32
    %dma_start3A_66 = arith.constant 256 : i32
    %dma_start3A_67 = tpu.memref_slice %arg7[%dma_start3A_65, %dma_start3A_66] : memref<32x512xf32, #tpu.memory_space<vmem>> -> memref<8x128xf32, #tpu.memory_space<vmem>>
    tpu.enqueue_dma source(%dma_start3A_67 : memref<8x128xf32, #tpu.memory_space<vmem>>) target(%dma_start3A_64 : memref<8x128xf32, #tpu.memory_space<hbm>>) target_semaphore(%arg9 : memref<!tpu.dma_semaphore, #tpu.memory_space<semaphore_mem>>)
    %mul3A_68 = arith.constant 4 : i32
    %mul3A_69 = arith.muli %add3A, %mul3A_68 : i32
    %add3A_70 = arith.constant 3 : i32
    %add3A_71 = arith.addi %mul3A_69, %add3A_70 : i32
    %dma_start3A_72 = arith.constant 0 : i32
    %dma_start3A_73 = arith.constant 0 : i32
    %dma_start3A_74 = arith.constant 384 : i32
    %dma_start3A_75 = tpu.memref_slice %arg7[%dma_start3A_73, %dma_start3A_74] : memref<32x512xf32, #tpu.memory_space<vmem>> -> memref<8x128xf32, #tpu.memory_space<vmem>>
    %dma_start3A_76 = arith.constant 0 : i32
    %dma_start3A_77 = arith.constant 0 : i32
    %dma_start3A_78 = tpu.memref_slice %arg4[%dma_start3A_72, %add3A_71, %dma_start3A_76, %dma_start3A_77] : memref<4x128x8x128xf32, #tpu.memory_space<hbm>> -> memref<1x1x8x128xf32, #tpu.memory_space<hbm>>
    %dma_start3A_79 = tpu.memref_squeeze %dma_start3A_78 : memref<1x1x8x128xf32, #tpu.memory_space<hbm>> -> memref<8x128xf32, #tpu.memory_space<hbm>>
    %dma_start3A_80 = arith.constant 0 : i32
    %dma_start3A_81 = arith.constant 0 : i32
    %dma_start3A_82 = tpu.memref_slice %arg4[%dma_start3A_72, %add3A_71, %dma_start3A_80, %dma_start3A_81] : memref<4x128x8x128xf32, #tpu.memory_space<hbm>> -> memref<1x1x8x128xf32, #tpu.memory_space<hbm>>
    %dma_start3A_83 = tpu.memref_squeeze %dma_start3A_82 : memref<1x1x8x128xf32, #tpu.memory_space<hbm>> -> memref<8x128xf32, #tpu.memory_space<hbm>>
    %dma_start3A_84 = arith.constant 0 : i32
    %dma_start3A_85 = arith.constant 384 : i32
    %dma_start3A_86 = tpu.memref_slice %arg7[%dma_start3A_84, %dma_start3A_85] : memref<32x512xf32, #tpu.memory_space<vmem>> -> memref<8x128xf32, #tpu.memory_space<vmem>>
    tpu.enqueue_dma source(%dma_start3A_86 : memref<8x128xf32, #tpu.memory_space<vmem>>) target(%dma_start3A_83 : memref<8x128xf32, #tpu.memory_space<hbm>>) target_semaphore(%arg9 : memref<!tpu.dma_semaphore, #tpu.memory_space<semaphore_mem>>)
    %mul3A_87 = arith.constant 4 : i32
    %mul3A_88 = arith.muli %add3A, %mul3A_87 : i32
    %add3A_89 = arith.constant 0 : i32
    %add3A_90 = arith.addi %mul3A_88, %add3A_89 : i32
    %dma_start3A_91 = arith.constant 1 : i32
    %dma_start3A_92 = arith.constant 8 : i32
    %dma_start3A_93 = arith.constant 0 : i32
    %dma_start3A_94 = tpu.memref_slice %arg7[%dma_start3A_92, %dma_start3A_93] : memref<32x512xf32, #tpu.memory_space<vmem>> -> memref<8x128xf32, #tpu.memory_space<vmem>>
    %dma_start3A_95 = arith.constant 0 : i32
    %dma_start3A_96 = arith.constant 0 : i32
    %dma_start3A_97 = tpu.memref_slice %arg4[%dma_start3A_91, %add3A_90, %dma_start3A_95, %dma_start3A_96] : memref<4x128x8x128xf32, #tpu.memory_space<hbm>> -> memref<1x1x8x128xf32, #tpu.memory_space<hbm>>
    %dma_start3A_98 = tpu.memref_squeeze %dma_start3A_97 : memref<1x1x8x128xf32, #tpu.memory_space<hbm>> -> memref<8x128xf32, #tpu.memory_space<hbm>>
    %dma_start3A_99 = arith.constant 0 : i32
    %dma_start3A_100 = arith.constant 0 : i32
    %dma_start3A_101 = tpu.memref_slice %arg4[%dma_start3A_91, %add3A_90, %dma_start3A_99, %dma_start3A_100] : memref<4x128x8x128xf32, #tpu.memory_space<hbm>> -> memref<1x1x8x128xf32, #tpu.memory_space<hbm>>
    %dma_start3A_102 = tpu.memref_squeeze %dma_start3A_101 : memref<1x1x8x128xf32, #tpu.memory_space<hbm>> -> memref<8x128xf32, #tpu.memory_space<hbm>>
    %dma_start3A_103 = arith.constant 8 : i32
    %dma_start3A_104 = arith.constant 0 : i32
    %dma_start3A_105 = tpu.memref_slice %arg7[%dma_start3A_103, %dma_start3A_104] : memref<32x512xf32, #tpu.memory_space<vmem>> -> memref<8x128xf32, #tpu.memory_space<vmem>>
    tpu.enqueue_dma source(%dma_start3A_105 : memref<8x128xf32, #tpu.memory_space<vmem>>) target(%dma_start3A_102 : memref<8x128xf32, #tpu.memory_space<hbm>>) target_semaphore(%arg9 : memref<!tpu.dma_semaphore, #tpu.memory_space<semaphore_mem>>)
    %mul3A_106 = arith.constant 4 : i32
    %mul3A_107 = arith.muli %add3A, %mul3A_106 : i32
    %add3A_108 = arith.constant 1 : i32
    %add3A_109 = arith.addi %mul3A_107, %add3A_108 : i32
    %dma_start3A_110 = arith.constant 1 : i32
    %dma_start3A_111 = arith.constant 8 : i32
    %dma_start3A_112 = arith.constant 128 : i32
    %dma_start3A_113 = tpu.memref_slice %arg7[%dma_start3A_111, %dma_start3A_112] : memref<32x512xf32, #tpu.memory_space<vmem>> -> memref<8x128xf32, #tpu.memory_space<vmem>>
    %dma_start3A_114 = arith.constant 0 : i32
    %dma_start3A_115 = arith.constant 0 : i32
    %dma_start3A_116 = tpu.memref_slice %arg4[%dma_start3A_110, %add3A_109, %dma_start3A_114, %dma_start3A_115] : memref<4x128x8x128xf32, #tpu.memory_space<hbm>> -> memref<1x1x8x128xf32, #tpu.memory_space<hbm>>
    %dma_start3A_117 = tpu.memref_squeeze %dma_start3A_116 : memref<1x1x8x128xf32, #tpu.memory_space<hbm>> -> memref<8x128xf32, #tpu.memory_space<hbm>>
    %dma_start3A_118 = arith.constant 0 : i32
    %dma_start3A_119 = arith.constant 0 : i32
    %dma_start3A_120 = tpu.memref_slice %arg4[%dma_start3A_110, %add3A_109, %dma_start3A_118, %dma_start3A_119] : memref<4x128x8x128xf32, #tpu.memory_space<hbm>> -> memref<1x1x8x128xf32, #tpu.memory_space<hbm>>
    %dma_start3A_121 = tpu.memref_squeeze %dma_start3A_120 : memref<1x1x8x128xf32, #tpu.memory_space<hbm>> -> memref<8x128xf32, #tpu.memory_space<hbm>>
    %dma_start3A_122 = arith.constant 8 : i32
    %dma_start3A_123 = arith.constant 128 : i32
    %dma_start3A_124 = tpu.memref_slice %arg7[%dma_start3A_122, %dma_start3A_123] : memref<32x512xf32, #tpu.memory_space<vmem>> -> memref<8x128xf32, #tpu.memory_space<vmem>>
    tpu.enqueue_dma source(%dma_start3A_124 : memref<8x128xf32, #tpu.memory_space<vmem>>) target(%dma_start3A_121 : memref<8x128xf32, #tpu.memory_space<hbm>>) target_semaphore(%arg9 : memref<!tpu.dma_semaphore, #tpu.memory_space<semaphore_mem>>)
    %mul3A_125 = arith.constant 4 : i32
    %mul3A_126 = arith.muli %add3A, %mul3A_125 : i32
    %add3A_127 = arith.constant 2 : i32
    %add3A_128 = arith.addi %mul3A_126, %add3A_127 : i32
    %dma_start3A_129 = arith.constant 1 : i32
    %dma_start3A_130 = arith.constant 8 : i32
    %dma_start3A_131 = arith.constant 256 : i32
    %dma_start3A_132 = tpu.memref_slice %arg7[%dma_start3A_130, %dma_start3A_131] : memref<32x512xf32, #tpu.memory_space<vmem>> -> memref<8x128xf32, #tpu.memory_space<vmem>>
    %dma_start3A_133 = arith.constant 0 : i32
    %dma_start3A_134 = arith.constant 0 : i32
    %dma_start3A_135 = tpu.memref_slice %arg4[%dma_start3A_129, %add3A_128, %dma_start3A_133, %dma_start3A_134] : memref<4x128x8x128xf32, #tpu.memory_space<hbm>> -> memref<1x1x8x128xf32, #tpu.memory_space<hbm>>
    %dma_start3A_136 = tpu.memref_squeeze %dma_start3A_135 : memref<1x1x8x128xf32, #tpu.memory_space<hbm>> -> memref<8x128xf32, #tpu.memory_space<hbm>>
    %dma_start3A_137 = arith.constant 0 : i32
    %dma_start3A_138 = arith.constant 0 : i32
    %dma_start3A_139 = tpu.memref_slice %arg4[%dma_start3A_129, %add3A_128, %dma_start3A_137, %dma_start3A_138] : memref<4x128x8x128xf32, #tpu.memory_space<hbm>> -> memref<1x1x8x128xf32, #tpu.memory_space<hbm>>
    %dma_start3A_140 = tpu.memref_squeeze %dma_start3A_139 : memref<1x1x8x128xf32, #tpu.memory_space<hbm>> -> memref<8x128xf32, #tpu.memory_space<hbm>>
    %dma_start3A_141 = arith.constant 8 : i32
    %dma_start3A_142 = arith.constant 256 : i32
    %dma_start3A_143 = tpu.memref_slice %arg7[%dma_start3A_141, %dma_start3A_142] : memref<32x512xf32, #tpu.memory_space<vmem>> -> memref<8x128xf32, #tpu.memory_space<vmem>>
    tpu.enqueue_dma source(%dma_start3A_143 : memref<8x128xf32, #tpu.memory_space<vmem>>) target(%dma_start3A_140 : memref<8x128xf32, #tpu.memory_space<hbm>>) target_semaphore(%arg9 : memref<!tpu.dma_semaphore, #tpu.memory_space<semaphore_mem>>)
    %mul3A_144 = arith.constant 4 : i32
    %mul3A_145 = arith.muli %add3A, %mul3A_144 : i32
    %add3A_146 = arith.constant 3 : i32
    %add3A_147 = arith.addi %mul3A_145, %add3A_146 : i32
    %dma_start3A_148 = arith.constant 1 : i32
    %dma_start3A_149 = arith.constant 8 : i32
    %dma_start3A_150 = arith.constant 384 : i32
    %dma_start3A_151 = tpu.memref_slice %arg7[%dma_start3A_149, %dma_start3A_150] : memref<32x512xf32, #tpu.memory_space<vmem>> -> memref<8x128xf32, #tpu.memory_space<vmem>>
    %dma_start3A_152 = arith.constant 0 : i32
    %dma_start3A_153 = arith.constant 0 : i32
    %dma_start3A_154 = tpu.memref_slice %arg4[%dma_start3A_148, %add3A_147, %dma_start3A_152, %dma_start3A_153] : memref<4x128x8x128xf32, #tpu.memory_space<hbm>> -> memref<1x1x8x128xf32, #tpu.memory_space<hbm>>
    %dma_start3A_155 = tpu.memref_squeeze %dma_start3A_154 : memref<1x1x8x128xf32, #tpu.memory_space<hbm>> -> memref<8x128xf32, #tpu.memory_space<hbm>>
    %dma_start3A_156 = arith.constant 0 : i32
    %dma_start3A_157 = arith.constant 0 : i32
    %dma_start3A_158 = tpu.memref_slice %arg4[%dma_start3A_148, %add3A_147, %dma_start3A_156, %dma_start3A_157] : memref<4x128x8x128xf32, #tpu.memory_space<hbm>> -> memref<1x1x8x128xf32, #tpu.memory_space<hbm>>
    %dma_start3A_159 = tpu.memref_squeeze %dma_start3A_158 : memref<1x1x8x128xf32, #tpu.memory_space<hbm>> -> memref<8x128xf32, #tpu.memory_space<hbm>>
    %dma_start3A_160 = arith.constant 8 : i32
    %dma_start3A_161 = arith.constant 384 : i32
    %dma_start3A_162 = tpu.memref_slice %arg7[%dma_start3A_160, %dma_start3A_161] : memref<32x512xf32, #tpu.memory_space<vmem>> -> memref<8x128xf32, #tpu.memory_space<vmem>>
    tpu.enqueue_dma source(%dma_start3A_162 : memref<8x128xf32, #tpu.memory_space<vmem>>) target(%dma_start3A_159 : memref<8x128xf32, #tpu.memory_space<hbm>>) target_semaphore(%arg9 : memref<!tpu.dma_semaphore, #tpu.memory_space<semaphore_mem>>)
    %mul3A_163 = arith.constant 4 : i32
    %mul3A_164 = arith.muli %add3A, %mul3A_163 : i32
    %add3A_165 = arith.constant 0 : i32
    %add3A_166 = arith.addi %mul3A_164, %add3A_165 : i32
    %dma_start3A_167 = arith.constant 2 : i32
    %dma_start3A_168 = arith.constant 16 : i32
    %dma_start3A_169 = arith.constant 0 : i32
    %dma_start3A_170 = tpu.memref_slice %arg7[%dma_start3A_168, %dma_start3A_169] : memref<32x512xf32, #tpu.memory_space<vmem>> -> memref<8x128xf32, #tpu.memory_space<vmem>>
    %dma_start3A_171 = arith.constant 0 : i32
    %dma_start3A_172 = arith.constant 0 : i32
    %dma_start3A_173 = tpu.memref_slice %arg4[%dma_start3A_167, %add3A_166, %dma_start3A_171, %dma_start3A_172] : memref<4x128x8x128xf32, #tpu.memory_space<hbm>> -> memref<1x1x8x128xf32, #tpu.memory_space<hbm>>
    %dma_start3A_174 = tpu.memref_squeeze %dma_start3A_173 : memref<1x1x8x128xf32, #tpu.memory_space<hbm>> -> memref<8x128xf32, #tpu.memory_space<hbm>>
    %dma_start3A_175 = arith.constant 0 : i32
    %dma_start3A_176 = arith.constant 0 : i32
    %dma_start3A_177 = tpu.memref_slice %arg4[%dma_start3A_167, %add3A_166, %dma_start3A_175, %dma_start3A_176] : memref<4x128x8x128xf32, #tpu.memory_space<hbm>> -> memref<1x1x8x128xf32, #tpu.memory_space<hbm>>
    %dma_start3A_178 = tpu.memref_squeeze %dma_start3A_177 : memref<1x1x8x128xf32, #tpu.memory_space<hbm>> -> memref<8x128xf32, #tpu.memory_space<hbm>>
    %dma_start3A_179 = arith.constant 16 : i32
    %dma_start3A_180 = arith.constant 0 : i32
    %dma_start3A_181 = tpu.memref_slice %arg7[%dma_start3A_179, %dma_start3A_180] : memref<32x512xf32, #tpu.memory_space<vmem>> -> memref<8x128xf32, #tpu.memory_space<vmem>>
    tpu.enqueue_dma source(%dma_start3A_181 : memref<8x128xf32, #tpu.memory_space<vmem>>) target(%dma_start3A_178 : memref<8x128xf32, #tpu.memory_space<hbm>>) target_semaphore(%arg9 : memref<!tpu.dma_semaphore, #tpu.memory_space<semaphore_mem>>)
    %mul3A_182 = arith.constant 4 : i32
    %mul3A_183 = arith.muli %add3A, %mul3A_182 : i32
    %add3A_184 = arith.constant 1 : i32
    %add3A_185 = arith.addi %mul3A_183, %add3A_184 : i32
    %dma_start3A_186 = arith.constant 2 : i32
    %dma_start3A_187 = arith.constant 16 : i32
    %dma_start3A_188 = arith.constant 128 : i32
    %dma_start3A_189 = tpu.memref_slice %arg7[%dma_start3A_187, %dma_start3A_188] : memref<32x512xf32, #tpu.memory_space<vmem>> -> memref<8x128xf32, #tpu.memory_space<vmem>>
    %dma_start3A_190 = arith.constant 0 : i32
    %dma_start3A_191 = arith.constant 0 : i32
    %dma_start3A_192 = tpu.memref_slice %arg4[%dma_start3A_186, %add3A_185, %dma_start3A_190, %dma_start3A_191] : memref<4x128x8x128xf32, #tpu.memory_space<hbm>> -> memref<1x1x8x128xf32, #tpu.memory_space<hbm>>
    %dma_start3A_193 = tpu.memref_squeeze %dma_start3A_192 : memref<1x1x8x128xf32, #tpu.memory_space<hbm>> -> memref<8x128xf32, #tpu.memory_space<hbm>>
    %dma_start3A_194 = arith.constant 0 : i32
    %dma_start3A_195 = arith.constant 0 : i32
    %dma_start3A_196 = tpu.memref_slice %arg4[%dma_start3A_186, %add3A_185, %dma_start3A_194, %dma_start3A_195] : memref<4x128x8x128xf32, #tpu.memory_space<hbm>> -> memref<1x1x8x128xf32, #tpu.memory_space<hbm>>
    %dma_start3A_197 = tpu.memref_squeeze %dma_start3A_196 : memref<1x1x8x128xf32, #tpu.memory_space<hbm>> -> memref<8x128xf32, #tpu.memory_space<hbm>>
    %dma_start3A_198 = arith.constant 16 : i32
    %dma_start3A_199 = arith.constant 128 : i32
    %dma_start3A_200 = tpu.memref_slice %arg7[%dma_start3A_198, %dma_start3A_199] : memref<32x512xf32, #tpu.memory_space<vmem>> -> memref<8x128xf32, #tpu.memory_space<vmem>>
    tpu.enqueue_dma source(%dma_start3A_200 : memref<8x128xf32, #tpu.memory_space<vmem>>) target(%dma_start3A_197 : memref<8x128xf32, #tpu.memory_space<hbm>>) target_semaphore(%arg9 : memref<!tpu.dma_semaphore, #tpu.memory_space<semaphore_mem>>)
    %mul3A_201 = arith.constant 4 : i32
    %mul3A_202 = arith.muli %add3A, %mul3A_201 : i32
    %add3A_203 = arith.constant 2 : i32
    %add3A_204 = arith.addi %mul3A_202, %add3A_203 : i32
    %dma_start3A_205 = arith.constant 2 : i32
    %dma_start3A_206 = arith.constant 16 : i32
    %dma_start3A_207 = arith.constant 256 : i32
    %dma_start3A_208 = tpu.memref_slice %arg7[%dma_start3A_206, %dma_start3A_207] : memref<32x512xf32, #tpu.memory_space<vmem>> -> memref<8x128xf32, #tpu.memory_space<vmem>>
    %dma_start3A_209 = arith.constant 0 : i32
    %dma_start3A_210 = arith.constant 0 : i32
    %dma_start3A_211 = tpu.memref_slice %arg4[%dma_start3A_205, %add3A_204, %dma_start3A_209, %dma_start3A_210] : memref<4x128x8x128xf32, #tpu.memory_space<hbm>> -> memref<1x1x8x128xf32, #tpu.memory_space<hbm>>
    %dma_start3A_212 = tpu.memref_squeeze %dma_start3A_211 : memref<1x1x8x128xf32, #tpu.memory_space<hbm>> -> memref<8x128xf32, #tpu.memory_space<hbm>>
    %dma_start3A_213 = arith.constant 0 : i32
    %dma_start3A_214 = arith.constant 0 : i32
    %dma_start3A_215 = tpu.memref_slice %arg4[%dma_start3A_205, %add3A_204, %dma_start3A_213, %dma_start3A_214] : memref<4x128x8x128xf32, #tpu.memory_space<hbm>> -> memref<1x1x8x128xf32, #tpu.memory_space<hbm>>
    %dma_start3A_216 = tpu.memref_squeeze %dma_start3A_215 : memref<1x1x8x128xf32, #tpu.memory_space<hbm>> -> memref<8x128xf32, #tpu.memory_space<hbm>>
    %dma_start3A_217 = arith.constant 16 : i32
    %dma_start3A_218 = arith.constant 256 : i32
    %dma_start3A_219 = tpu.memref_slice %arg7[%dma_start3A_217, %dma_start3A_218] : memref<32x512xf32, #tpu.memory_space<vmem>> -> memref<8x128xf32, #tpu.memory_space<vmem>>
    tpu.enqueue_dma source(%dma_start3A_219 : memref<8x128xf32, #tpu.memory_space<vmem>>) target(%dma_start3A_216 : memref<8x128xf32, #tpu.memory_space<hbm>>) target_semaphore(%arg9 : memref<!tpu.dma_semaphore, #tpu.memory_space<semaphore_mem>>)
    %mul3A_220 = arith.constant 4 : i32
    %mul3A_221 = arith.muli %add3A, %mul3A_220 : i32
    %add3A_222 = arith.constant 3 : i32
    %add3A_223 = arith.addi %mul3A_221, %add3A_222 : i32
    %dma_start3A_224 = arith.constant 2 : i32
    %dma_start3A_225 = arith.constant 16 : i32
    %dma_start3A_226 = arith.constant 384 : i32
    %dma_start3A_227 = tpu.memref_slice %arg7[%dma_start3A_225, %dma_start3A_226] : memref<32x512xf32, #tpu.memory_space<vmem>> -> memref<8x128xf32, #tpu.memory_space<vmem>>
    %dma_start3A_228 = arith.constant 0 : i32
    %dma_start3A_229 = arith.constant 0 : i32
    %dma_start3A_230 = tpu.memref_slice %arg4[%dma_start3A_224, %add3A_223, %dma_start3A_228, %dma_start3A_229] : memref<4x128x8x128xf32, #tpu.memory_space<hbm>> -> memref<1x1x8x128xf32, #tpu.memory_space<hbm>>
    %dma_start3A_231 = tpu.memref_squeeze %dma_start3A_230 : memref<1x1x8x128xf32, #tpu.memory_space<hbm>> -> memref<8x128xf32, #tpu.memory_space<hbm>>
    %dma_start3A_232 = arith.constant 0 : i32
    %dma_start3A_233 = arith.constant 0 : i32
    %dma_start3A_234 = tpu.memref_slice %arg4[%dma_start3A_224, %add3A_223, %dma_start3A_232, %dma_start3A_233] : memref<4x128x8x128xf32, #tpu.memory_space<hbm>> -> memref<1x1x8x128xf32, #tpu.memory_space<hbm>>
    %dma_start3A_235 = tpu.memref_squeeze %dma_start3A_234 : memref<1x1x8x128xf32, #tpu.memory_space<hbm>> -> memref<8x128xf32, #tpu.memory_space<hbm>>
    %dma_start3A_236 = arith.constant 16 : i32
    %dma_start3A_237 = arith.constant 384 : i32
    %dma_start3A_238 = tpu.memref_slice %arg7[%dma_start3A_236, %dma_start3A_237] : memref<32x512xf32, #tpu.memory_space<vmem>> -> memref<8x128xf32, #tpu.memory_space<vmem>>
    tpu.enqueue_dma source(%dma_start3A_238 : memref<8x128xf32, #tpu.memory_space<vmem>>) target(%dma_start3A_235 : memref<8x128xf32, #tpu.memory_space<hbm>>) target_semaphore(%arg9 : memref<!tpu.dma_semaphore, #tpu.memory_space<semaphore_mem>>)
    %mul3A_239 = arith.constant 4 : i32
    %mul3A_240 = arith.muli %add3A, %mul3A_239 : i32
    %add3A_241 = arith.constant 0 : i32
    %add3A_242 = arith.addi %mul3A_240, %add3A_241 : i32
    %dma_start3A_243 = arith.constant 3 : i32
    %dma_start3A_244 = arith.constant 24 : i32
    %dma_start3A_245 = arith.constant 0 : i32
    %dma_start3A_246 = tpu.memref_slice %arg7[%dma_start3A_244, %dma_start3A_245] : memref<32x512xf32, #tpu.memory_space<vmem>> -> memref<8x128xf32, #tpu.memory_space<vmem>>
    %dma_start3A_247 = arith.constant 0 : i32
    %dma_start3A_248 = arith.constant 0 : i32
    %dma_start3A_249 = tpu.memref_slice %arg4[%dma_start3A_243, %add3A_242, %dma_start3A_247, %dma_start3A_248] : memref<4x128x8x128xf32, #tpu.memory_space<hbm>> -> memref<1x1x8x128xf32, #tpu.memory_space<hbm>>
    %dma_start3A_250 = tpu.memref_squeeze %dma_start3A_249 : memref<1x1x8x128xf32, #tpu.memory_space<hbm>> -> memref<8x128xf32, #tpu.memory_space<hbm>>
    %dma_start3A_251 = arith.constant 0 : i32
    %dma_start3A_252 = arith.constant 0 : i32
    %dma_start3A_253 = tpu.memref_slice %arg4[%dma_start3A_243, %add3A_242, %dma_start3A_251, %dma_start3A_252] : memref<4x128x8x128xf32, #tpu.memory_space<hbm>> -> memref<1x1x8x128xf32, #tpu.memory_space<hbm>>
    %dma_start3A_254 = tpu.memref_squeeze %dma_start3A_253 : memref<1x1x8x128xf32, #tpu.memory_space<hbm>> -> memref<8x128xf32, #tpu.memory_space<hbm>>
    %dma_start3A_255 = arith.constant 24 : i32
    %dma_start3A_256 = arith.constant 0 : i32
    %dma_start3A_257 = tpu.memref_slice %arg7[%dma_start3A_255, %dma_start3A_256] : memref<32x512xf32, #tpu.memory_space<vmem>> -> memref<8x128xf32, #tpu.memory_space<vmem>>
    tpu.enqueue_dma source(%dma_start3A_257 : memref<8x128xf32, #tpu.memory_space<vmem>>) target(%dma_start3A_254 : memref<8x128xf32, #tpu.memory_space<hbm>>) target_semaphore(%arg9 : memref<!tpu.dma_semaphore, #tpu.memory_space<semaphore_mem>>)
    %mul3A_258 = arith.constant 4 : i32
    %mul3A_259 = arith.muli %add3A, %mul3A_258 : i32
    %add3A_260 = arith.constant 1 : i32
    %add3A_261 = arith.addi %mul3A_259, %add3A_260 : i32
    %dma_start3A_262 = arith.constant 3 : i32
    %dma_start3A_263 = arith.constant 24 : i32
    %dma_start3A_264 = arith.constant 128 : i32
    %dma_start3A_265 = tpu.memref_slice %arg7[%dma_start3A_263, %dma_start3A_264] : memref<32x512xf32, #tpu.memory_space<vmem>> -> memref<8x128xf32, #tpu.memory_space<vmem>>
    %dma_start3A_266 = arith.constant 0 : i32
    %dma_start3A_267 = arith.constant 0 : i32
    %dma_start3A_268 = tpu.memref_slice %arg4[%dma_start3A_262, %add3A_261, %dma_start3A_266, %dma_start3A_267] : memref<4x128x8x128xf32, #tpu.memory_space<hbm>> -> memref<1x1x8x128xf32, #tpu.memory_space<hbm>>
    %dma_start3A_269 = tpu.memref_squeeze %dma_start3A_268 : memref<1x1x8x128xf32, #tpu.memory_space<hbm>> -> memref<8x128xf32, #tpu.memory_space<hbm>>
    %dma_start3A_270 = arith.constant 0 : i32
    %dma_start3A_271 = arith.constant 0 : i32
    %dma_start3A_272 = tpu.memref_slice %arg4[%dma_start3A_262, %add3A_261, %dma_start3A_270, %dma_start3A_271] : memref<4x128x8x128xf32, #tpu.memory_space<hbm>> -> memref<1x1x8x128xf32, #tpu.memory_space<hbm>>
    %dma_start3A_273 = tpu.memref_squeeze %dma_start3A_272 : memref<1x1x8x128xf32, #tpu.memory_space<hbm>> -> memref<8x128xf32, #tpu.memory_space<hbm>>
    %dma_start3A_274 = arith.constant 24 : i32
    %dma_start3A_275 = arith.constant 128 : i32
    %dma_start3A_276 = tpu.memref_slice %arg7[%dma_start3A_274, %dma_start3A_275] : memref<32x512xf32, #tpu.memory_space<vmem>> -> memref<8x128xf32, #tpu.memory_space<vmem>>
    tpu.enqueue_dma source(%dma_start3A_276 : memref<8x128xf32, #tpu.memory_space<vmem>>) target(%dma_start3A_273 : memref<8x128xf32, #tpu.memory_space<hbm>>) target_semaphore(%arg9 : memref<!tpu.dma_semaphore, #tpu.memory_space<semaphore_mem>>)
    %mul3A_277 = arith.constant 4 : i32
    %mul3A_278 = arith.muli %add3A, %mul3A_277 : i32
    %add3A_279 = arith.constant 2 : i32
    %add3A_280 = arith.addi %mul3A_278, %add3A_279 : i32
    %dma_start3A_281 = arith.constant 3 : i32
    %dma_start3A_282 = arith.constant 24 : i32
    %dma_start3A_283 = arith.constant 256 : i32
    %dma_start3A_284 = tpu.memref_slice %arg7[%dma_start3A_282, %dma_start3A_283] : memref<32x512xf32, #tpu.memory_space<vmem>> -> memref<8x128xf32, #tpu.memory_space<vmem>>
    %dma_start3A_285 = arith.constant 0 : i32
    %dma_start3A_286 = arith.constant 0 : i32
    %dma_start3A_287 = tpu.memref_slice %arg4[%dma_start3A_281, %add3A_280, %dma_start3A_285, %dma_start3A_286] : memref<4x128x8x128xf32, #tpu.memory_space<hbm>> -> memref<1x1x8x128xf32, #tpu.memory_space<hbm>>
    %dma_start3A_288 = tpu.memref_squeeze %dma_start3A_287 : memref<1x1x8x128xf32, #tpu.memory_space<hbm>> -> memref<8x128xf32, #tpu.memory_space<hbm>>
    %dma_start3A_289 = arith.constant 0 : i32
    %dma_start3A_290 = arith.constant 0 : i32
    %dma_start3A_291 = tpu.memref_slice %arg4[%dma_start3A_281, %add3A_280, %dma_start3A_289, %dma_start3A_290] : memref<4x128x8x128xf32, #tpu.memory_space<hbm>> -> memref<1x1x8x128xf32, #tpu.memory_space<hbm>>
    %dma_start3A_292 = tpu.memref_squeeze %dma_start3A_291 : memref<1x1x8x128xf32, #tpu.memory_space<hbm>> -> memref<8x128xf32, #tpu.memory_space<hbm>>
    %dma_start3A_293 = arith.constant 24 : i32
    %dma_start3A_294 = arith.constant 256 : i32
    %dma_start3A_295 = tpu.memref_slice %arg7[%dma_start3A_293, %dma_start3A_294] : memref<32x512xf32, #tpu.memory_space<vmem>> -> memref<8x128xf32, #tpu.memory_space<vmem>>
    tpu.enqueue_dma source(%dma_start3A_295 : memref<8x128xf32, #tpu.memory_space<vmem>>) target(%dma_start3A_292 : memref<8x128xf32, #tpu.memory_space<hbm>>) target_semaphore(%arg9 : memref<!tpu.dma_semaphore, #tpu.memory_space<semaphore_mem>>)
    %mul3A_296 = arith.constant 4 : i32
    %mul3A_297 = arith.muli %add3A, %mul3A_296 : i32
    %add3A_298 = arith.constant 3 : i32
    %add3A_299 = arith.addi %mul3A_297, %add3A_298 : i32
    %dma_start3A_300 = arith.constant 3 : i32
    %dma_start3A_301 = arith.constant 24 : i32
    %dma_start3A_302 = arith.constant 384 : i32
    %dma_start3A_303 = tpu.memref_slice %arg7[%dma_start3A_301, %dma_start3A_302] : memref<32x512xf32, #tpu.memory_space<vmem>> -> memref<8x128xf32, #tpu.memory_space<vmem>>
    %dma_start3A_304 = arith.constant 0 : i32
    %dma_start3A_305 = arith.constant 0 : i32
    %dma_start3A_306 = tpu.memref_slice %arg4[%dma_start3A_300, %add3A_299, %dma_start3A_304, %dma_start3A_305] : memref<4x128x8x128xf32, #tpu.memory_space<hbm>> -> memref<1x1x8x128xf32, #tpu.memory_space<hbm>>
    %dma_start3A_307 = tpu.memref_squeeze %dma_start3A_306 : memref<1x1x8x128xf32, #tpu.memory_space<hbm>> -> memref<8x128xf32, #tpu.memory_space<hbm>>
    %dma_start3A_308 = arith.constant 0 : i32
    %dma_start3A_309 = arith.constant 0 : i32
    %dma_start3A_310 = tpu.memref_slice %arg4[%dma_start3A_300, %add3A_299, %dma_start3A_308, %dma_start3A_309] : memref<4x128x8x128xf32, #tpu.memory_space<hbm>> -> memref<1x1x8x128xf32, #tpu.memory_space<hbm>>
    %dma_start3A_311 = tpu.memref_squeeze %dma_start3A_310 : memref<1x1x8x128xf32, #tpu.memory_space<hbm>> -> memref<8x128xf32, #tpu.memory_space<hbm>>
    %dma_start3A_312 = arith.constant 24 : i32
    %dma_start3A_313 = arith.constant 384 : i32
    %dma_start3A_314 = tpu.memref_slice %arg7[%dma_start3A_312, %dma_start3A_313] : memref<32x512xf32, #tpu.memory_space<vmem>> -> memref<8x128xf32, #tpu.memory_space<vmem>>
    tpu.enqueue_dma source(%dma_start3A_314 : memref<8x128xf32, #tpu.memory_space<vmem>>) target(%dma_start3A_311 : memref<8x128xf32, #tpu.memory_space<hbm>>) target_semaphore(%arg9 : memref<!tpu.dma_semaphore, #tpu.memory_space<semaphore_mem>>)
    %dma_wait3A_315 = arith.constant 0 : i32
    %dma_wait3A_316 = arith.constant 0 : i32
    %dma_wait3A_317 = arith.constant 0 : i32
    %dma_wait3A_318 = tpu.memref_slice %arg7[%dma_wait3A_316, %dma_wait3A_317] : memref<32x512xf32, #tpu.memory_space<vmem>> -> memref<8x128xf32, #tpu.memory_space<vmem>>
    %dma_wait3A_319 = arith.constant 0 : i32
    %dma_wait3A_320 = arith.constant 0 : i32
    %dma_wait3A_321 = tpu.memref_slice %arg4[%dma_wait3A_315, %add3A_14, %dma_wait3A_319, %dma_wait3A_320] : memref<4x128x8x128xf32, #tpu.memory_space<hbm>> -> memref<1x1x8x128xf32, #tpu.memory_space<hbm>>
    %dma_wait3A_322 = tpu.memref_squeeze %dma_wait3A_321 : memref<1x1x8x128xf32, #tpu.memory_space<hbm>> -> memref<8x128xf32, #tpu.memory_space<hbm>>
    %dma_wait3A_323 = arith.constant 0 : i32
    %dma_wait3A_324 = arith.constant 0 : i32
    %dma_wait3A_325 = tpu.memref_slice %arg4[%dma_wait3A_315, %add3A_14, %dma_wait3A_323, %dma_wait3A_324] : memref<4x128x8x128xf32, #tpu.memory_space<hbm>> -> memref<1x1x8x128xf32, #tpu.memory_space<hbm>>
    %dma_wait3A_326 = tpu.memref_squeeze %dma_wait3A_325 : memref<1x1x8x128xf32, #tpu.memory_space<hbm>> -> memref<8x128xf32, #tpu.memory_space<hbm>>
    %dma_wait3A_327 = arith.constant 0 : i32
    %dma_wait3A_328 = arith.constant 0 : i32
    %dma_wait3A_329 = tpu.memref_slice %arg7[%dma_wait3A_327, %dma_wait3A_328] : memref<32x512xf32, #tpu.memory_space<vmem>> -> memref<8x128xf32, #tpu.memory_space<vmem>>
    tpu.wait_dma2 semaphore(%arg9 : memref<!tpu.dma_semaphore, #tpu.memory_space<semaphore_mem>>) src(%dma_wait3A_329 : memref<8x128xf32, #tpu.memory_space<vmem>>) dst(%dma_wait3A_326 : memref<8x128xf32, #tpu.memory_space<hbm>>)
    %dma_wait3A_330 = arith.constant 0 : i32
    %dma_wait3A_331 = arith.constant 0 : i32
    %dma_wait3A_332 = arith.constant 128 : i32
    %dma_wait3A_333 = tpu.memref_slice %arg7[%dma_wait3A_331, %dma_wait3A_332] : memref<32x512xf32, #tpu.memory_space<vmem>> -> memref<8x128xf32, #tpu.memory_space<vmem>>
    %dma_wait3A_334 = arith.constant 0 : i32
    %dma_wait3A_335 = arith.constant 0 : i32
    %dma_wait3A_336 = tpu.memref_slice %arg4[%dma_wait3A_330, %add3A_33, %dma_wait3A_334, %dma_wait3A_335] : memref<4x128x8x128xf32, #tpu.memory_space<hbm>> -> memref<1x1x8x128xf32, #tpu.memory_space<hbm>>
    %dma_wait3A_337 = tpu.memref_squeeze %dma_wait3A_336 : memref<1x1x8x128xf32, #tpu.memory_space<hbm>> -> memref<8x128xf32, #tpu.memory_space<hbm>>
    %dma_wait3A_338 = arith.constant 0 : i32
    %dma_wait3A_339 = arith.constant 0 : i32
    %dma_wait3A_340 = tpu.memref_slice %arg4[%dma_wait3A_330, %add3A_33, %dma_wait3A_338, %dma_wait3A_339] : memref<4x128x8x128xf32, #tpu.memory_space<hbm>> -> memref<1x1x8x128xf32, #tpu.memory_space<hbm>>
    %dma_wait3A_341 = tpu.memref_squeeze %dma_wait3A_340 : memref<1x1x8x128xf32, #tpu.memory_space<hbm>> -> memref<8x128xf32, #tpu.memory_space<hbm>>
    %dma_wait3A_342 = arith.constant 0 : i32
    %dma_wait3A_343 = arith.constant 128 : i32
    %dma_wait3A_344 = tpu.memref_slice %arg7[%dma_wait3A_342, %dma_wait3A_343] : memref<32x512xf32, #tpu.memory_space<vmem>> -> memref<8x128xf32, #tpu.memory_space<vmem>>
    tpu.wait_dma2 semaphore(%arg9 : memref<!tpu.dma_semaphore, #tpu.memory_space<semaphore_mem>>) src(%dma_wait3A_344 : memref<8x128xf32, #tpu.memory_space<vmem>>) dst(%dma_wait3A_341 : memref<8x128xf32, #tpu.memory_space<hbm>>)
    %dma_wait3A_345 = arith.constant 0 : i32
    %dma_wait3A_346 = arith.constant 0 : i32
    %dma_wait3A_347 = arith.constant 256 : i32
    %dma_wait3A_348 = tpu.memref_slice %arg7[%dma_wait3A_346, %dma_wait3A_347] : memref<32x512xf32, #tpu.memory_space<vmem>> -> memref<8x128xf32, #tpu.memory_space<vmem>>
    %dma_wait3A_349 = arith.constant 0 : i32
    %dma_wait3A_350 = arith.constant 0 : i32
    %dma_wait3A_351 = tpu.memref_slice %arg4[%dma_wait3A_345, %add3A_52, %dma_wait3A_349, %dma_wait3A_350] : memref<4x128x8x128xf32, #tpu.memory_space<hbm>> -> memref<1x1x8x128xf32, #tpu.memory_space<hbm>>
    %dma_wait3A_352 = tpu.memref_squeeze %dma_wait3A_351 : memref<1x1x8x128xf32, #tpu.memory_space<hbm>> -> memref<8x128xf32, #tpu.memory_space<hbm>>
    %dma_wait3A_353 = arith.constant 0 : i32
    %dma_wait3A_354 = arith.constant 0 : i32
    %dma_wait3A_355 = tpu.memref_slice %arg4[%dma_wait3A_345, %add3A_52, %dma_wait3A_353, %dma_wait3A_354] : memref<4x128x8x128xf32, #tpu.memory_space<hbm>> -> memref<1x1x8x128xf32, #tpu.memory_space<hbm>>
    %dma_wait3A_356 = tpu.memref_squeeze %dma_wait3A_355 : memref<1x1x8x128xf32, #tpu.memory_space<hbm>> -> memref<8x128xf32, #tpu.memory_space<hbm>>
    %dma_wait3A_357 = arith.constant 0 : i32
    %dma_wait3A_358 = arith.constant 256 : i32
    %dma_wait3A_359 = tpu.memref_slice %arg7[%dma_wait3A_357, %dma_wait3A_358] : memref<32x512xf32, #tpu.memory_space<vmem>> -> memref<8x128xf32, #tpu.memory_space<vmem>>
    tpu.wait_dma2 semaphore(%arg9 : memref<!tpu.dma_semaphore, #tpu.memory_space<semaphore_mem>>) src(%dma_wait3A_359 : memref<8x128xf32, #tpu.memory_space<vmem>>) dst(%dma_wait3A_356 : memref<8x128xf32, #tpu.memory_space<hbm>>)
    %dma_wait3A_360 = arith.constant 0 : i32
    %dma_wait3A_361 = arith.constant 0 : i32
    %dma_wait3A_362 = arith.constant 384 : i32
    %dma_wait3A_363 = tpu.memref_slice %arg7[%dma_wait3A_361, %dma_wait3A_362] : memref<32x512xf32, #tpu.memory_space<vmem>> -> memref<8x128xf32, #tpu.memory_space<vmem>>
    %dma_wait3A_364 = arith.constant 0 : i32
    %dma_wait3A_365 = arith.constant 0 : i32
    %dma_wait3A_366 = tpu.memref_slice %arg4[%dma_wait3A_360, %add3A_71, %dma_wait3A_364, %dma_wait3A_365] : memref<4x128x8x128xf32, #tpu.memory_space<hbm>> -> memref<1x1x8x128xf32, #tpu.memory_space<hbm>>
    %dma_wait3A_367 = tpu.memref_squeeze %dma_wait3A_366 : memref<1x1x8x128xf32, #tpu.memory_space<hbm>> -> memref<8x128xf32, #tpu.memory_space<hbm>>
    %dma_wait3A_368 = arith.constant 0 : i32
    %dma_wait3A_369 = arith.constant 0 : i32
    %dma_wait3A_370 = tpu.memref_slice %arg4[%dma_wait3A_360, %add3A_71, %dma_wait3A_368, %dma_wait3A_369] : memref<4x128x8x128xf32, #tpu.memory_space<hbm>> -> memref<1x1x8x128xf32, #tpu.memory_space<hbm>>
    %dma_wait3A_371 = tpu.memref_squeeze %dma_wait3A_370 : memref<1x1x8x128xf32, #tpu.memory_space<hbm>> -> memref<8x128xf32, #tpu.memory_space<hbm>>
    %dma_wait3A_372 = arith.constant 0 : i32
    %dma_wait3A_373 = arith.constant 384 : i32
    %dma_wait3A_374 = tpu.memref_slice %arg7[%dma_wait3A_372, %dma_wait3A_373] : memref<32x512xf32, #tpu.memory_space<vmem>> -> memref<8x128xf32, #tpu.memory_space<vmem>>
    tpu.wait_dma2 semaphore(%arg9 : memref<!tpu.dma_semaphore, #tpu.memory_space<semaphore_mem>>) src(%dma_wait3A_374 : memref<8x128xf32, #tpu.memory_space<vmem>>) dst(%dma_wait3A_371 : memref<8x128xf32, #tpu.memory_space<hbm>>)
    %dma_wait3A_375 = arith.constant 1 : i32
    %dma_wait3A_376 = arith.constant 8 : i32
    %dma_wait3A_377 = arith.constant 0 : i32
    %dma_wait3A_378 = tpu.memref_slice %arg7[%dma_wait3A_376, %dma_wait3A_377] : memref<32x512xf32, #tpu.memory_space<vmem>> -> memref<8x128xf32, #tpu.memory_space<vmem>>
    %dma_wait3A_379 = arith.constant 0 : i32
    %dma_wait3A_380 = arith.constant 0 : i32
    %dma_wait3A_381 = tpu.memref_slice %arg4[%dma_wait3A_375, %add3A_90, %dma_wait3A_379, %dma_wait3A_380] : memref<4x128x8x128xf32, #tpu.memory_space<hbm>> -> memref<1x1x8x128xf32, #tpu.memory_space<hbm>>
    %dma_wait3A_382 = tpu.memref_squeeze %dma_wait3A_381 : memref<1x1x8x128xf32, #tpu.memory_space<hbm>> -> memref<8x128xf32, #tpu.memory_space<hbm>>
    %dma_wait3A_383 = arith.constant 0 : i32
    %dma_wait3A_384 = arith.constant 0 : i32
    %dma_wait3A_385 = tpu.memref_slice %arg4[%dma_wait3A_375, %add3A_90, %dma_wait3A_383, %dma_wait3A_384] : memref<4x128x8x128xf32, #tpu.memory_space<hbm>> -> memref<1x1x8x128xf32, #tpu.memory_space<hbm>>
    %dma_wait3A_386 = tpu.memref_squeeze %dma_wait3A_385 : memref<1x1x8x128xf32, #tpu.memory_space<hbm>> -> memref<8x128xf32, #tpu.memory_space<hbm>>
    %dma_wait3A_387 = arith.constant 8 : i32
    %dma_wait3A_388 = arith.constant 0 : i32
    %dma_wait3A_389 = tpu.memref_slice %arg7[%dma_wait3A_387, %dma_wait3A_388] : memref<32x512xf32, #tpu.memory_space<vmem>> -> memref<8x128xf32, #tpu.memory_space<vmem>>
    tpu.wait_dma2 semaphore(%arg9 : memref<!tpu.dma_semaphore, #tpu.memory_space<semaphore_mem>>) src(%dma_wait3A_389 : memref<8x128xf32, #tpu.memory_space<vmem>>) dst(%dma_wait3A_386 : memref<8x128xf32, #tpu.memory_space<hbm>>)
    %dma_wait3A_390 = arith.constant 1 : i32
    %dma_wait3A_391 = arith.constant 8 : i32
    %dma_wait3A_392 = arith.constant 128 : i32
    %dma_wait3A_393 = tpu.memref_slice %arg7[%dma_wait3A_391, %dma_wait3A_392] : memref<32x512xf32, #tpu.memory_space<vmem>> -> memref<8x128xf32, #tpu.memory_space<vmem>>
    %dma_wait3A_394 = arith.constant 0 : i32
    %dma_wait3A_395 = arith.constant 0 : i32
    %dma_wait3A_396 = tpu.memref_slice %arg4[%dma_wait3A_390, %add3A_109, %dma_wait3A_394, %dma_wait3A_395] : memref<4x128x8x128xf32, #tpu.memory_space<hbm>> -> memref<1x1x8x128xf32, #tpu.memory_space<hbm>>
    %dma_wait3A_397 = tpu.memref_squeeze %dma_wait3A_396 : memref<1x1x8x128xf32, #tpu.memory_space<hbm>> -> memref<8x128xf32, #tpu.memory_space<hbm>>
    %dma_wait3A_398 = arith.constant 0 : i32
    %dma_wait3A_399 = arith.constant 0 : i32
    %dma_wait3A_400 = tpu.memref_slice %arg4[%dma_wait3A_390, %add3A_109, %dma_wait3A_398, %dma_wait3A_399] : memref<4x128x8x128xf32, #tpu.memory_space<hbm>> -> memref<1x1x8x128xf32, #tpu.memory_space<hbm>>
    %dma_wait3A_401 = tpu.memref_squeeze %dma_wait3A_400 : memref<1x1x8x128xf32, #tpu.memory_space<hbm>> -> memref<8x128xf32, #tpu.memory_space<hbm>>
    %dma_wait3A_402 = arith.constant 8 : i32
    %dma_wait3A_403 = arith.constant 128 : i32
    %dma_wait3A_404 = tpu.memref_slice %arg7[%dma_wait3A_402, %dma_wait3A_403] : memref<32x512xf32, #tpu.memory_space<vmem>> -> memref<8x128xf32, #tpu.memory_space<vmem>>
    tpu.wait_dma2 semaphore(%arg9 : memref<!tpu.dma_semaphore, #tpu.memory_space<semaphore_mem>>) src(%dma_wait3A_404 : memref<8x128xf32, #tpu.memory_space<vmem>>) dst(%dma_wait3A_401 : memref<8x128xf32, #tpu.memory_space<hbm>>)
    %dma_wait3A_405 = arith.constant 1 : i32
    %dma_wait3A_406 = arith.constant 8 : i32
    %dma_wait3A_407 = arith.constant 256 : i32
    %dma_wait3A_408 = tpu.memref_slice %arg7[%dma_wait3A_406, %dma_wait3A_407] : memref<32x512xf32, #tpu.memory_space<vmem>> -> memref<8x128xf32, #tpu.memory_space<vmem>>
    %dma_wait3A_409 = arith.constant 0 : i32
    %dma_wait3A_410 = arith.constant 0 : i32
    %dma_wait3A_411 = tpu.memref_slice %arg4[%dma_wait3A_405, %add3A_128, %dma_wait3A_409, %dma_wait3A_410] : memref<4x128x8x128xf32, #tpu.memory_space<hbm>> -> memref<1x1x8x128xf32, #tpu.memory_space<hbm>>
    %dma_wait3A_412 = tpu.memref_squeeze %dma_wait3A_411 : memref<1x1x8x128xf32, #tpu.memory_space<hbm>> -> memref<8x128xf32, #tpu.memory_space<hbm>>
    %dma_wait3A_413 = arith.constant 0 : i32
    %dma_wait3A_414 = arith.constant 0 : i32
    %dma_wait3A_415 = tpu.memref_slice %arg4[%dma_wait3A_405, %add3A_128, %dma_wait3A_413, %dma_wait3A_414] : memref<4x128x8x128xf32, #tpu.memory_space<hbm>> -> memref<1x1x8x128xf32, #tpu.memory_space<hbm>>
    %dma_wait3A_416 = tpu.memref_squeeze %dma_wait3A_415 : memref<1x1x8x128xf32, #tpu.memory_space<hbm>> -> memref<8x128xf32, #tpu.memory_space<hbm>>
    %dma_wait3A_417 = arith.constant 8 : i32
    %dma_wait3A_418 = arith.constant 256 : i32
    %dma_wait3A_419 = tpu.memref_slice %arg7[%dma_wait3A_417, %dma_wait3A_418] : memref<32x512xf32, #tpu.memory_space<vmem>> -> memref<8x128xf32, #tpu.memory_space<vmem>>
    tpu.wait_dma2 semaphore(%arg9 : memref<!tpu.dma_semaphore, #tpu.memory_space<semaphore_mem>>) src(%dma_wait3A_419 : memref<8x128xf32, #tpu.memory_space<vmem>>) dst(%dma_wait3A_416 : memref<8x128xf32, #tpu.memory_space<hbm>>)
    %dma_wait3A_420 = arith.constant 1 : i32
    %dma_wait3A_421 = arith.constant 8 : i32
    %dma_wait3A_422 = arith.constant 384 : i32
    %dma_wait3A_423 = tpu.memref_slice %arg7[%dma_wait3A_421, %dma_wait3A_422] : memref<32x512xf32, #tpu.memory_space<vmem>> -> memref<8x128xf32, #tpu.memory_space<vmem>>
    %dma_wait3A_424 = arith.constant 0 : i32
    %dma_wait3A_425 = arith.constant 0 : i32
    %dma_wait3A_426 = tpu.memref_slice %arg4[%dma_wait3A_420, %add3A_147, %dma_wait3A_424, %dma_wait3A_425] : memref<4x128x8x128xf32, #tpu.memory_space<hbm>> -> memref<1x1x8x128xf32, #tpu.memory_space<hbm>>
    %dma_wait3A_427 = tpu.memref_squeeze %dma_wait3A_426 : memref<1x1x8x128xf32, #tpu.memory_space<hbm>> -> memref<8x128xf32, #tpu.memory_space<hbm>>
    %dma_wait3A_428 = arith.constant 0 : i32
    %dma_wait3A_429 = arith.constant 0 : i32
    %dma_wait3A_430 = tpu.memref_slice %arg4[%dma_wait3A_420, %add3A_147, %dma_wait3A_428, %dma_wait3A_429] : memref<4x128x8x128xf32, #tpu.memory_space<hbm>> -> memref<1x1x8x128xf32, #tpu.memory_space<hbm>>
    %dma_wait3A_431 = tpu.memref_squeeze %dma_wait3A_430 : memref<1x1x8x128xf32, #tpu.memory_space<hbm>> -> memref<8x128xf32, #tpu.memory_space<hbm>>
    %dma_wait3A_432 = arith.constant 8 : i32
    %dma_wait3A_433 = arith.constant 384 : i32
    %dma_wait3A_434 = tpu.memref_slice %arg7[%dma_wait3A_432, %dma_wait3A_433] : memref<32x512xf32, #tpu.memory_space<vmem>> -> memref<8x128xf32, #tpu.memory_space<vmem>>
    tpu.wait_dma2 semaphore(%arg9 : memref<!tpu.dma_semaphore, #tpu.memory_space<semaphore_mem>>) src(%dma_wait3A_434 : memref<8x128xf32, #tpu.memory_space<vmem>>) dst(%dma_wait3A_431 : memref<8x128xf32, #tpu.memory_space<hbm>>)
    %dma_wait3A_435 = arith.constant 2 : i32
    %dma_wait3A_436 = arith.constant 16 : i32
    %dma_wait3A_437 = arith.constant 0 : i32
    %dma_wait3A_438 = tpu.memref_slice %arg7[%dma_wait3A_436, %dma_wait3A_437] : memref<32x512xf32, #tpu.memory_space<vmem>> -> memref<8x128xf32, #tpu.memory_space<vmem>>
    %dma_wait3A_439 = arith.constant 0 : i32
    %dma_wait3A_440 = arith.constant 0 : i32
    %dma_wait3A_441 = tpu.memref_slice %arg4[%dma_wait3A_435, %add3A_166, %dma_wait3A_439, %dma_wait3A_440] : memref<4x128x8x128xf32, #tpu.memory_space<hbm>> -> memref<1x1x8x128xf32, #tpu.memory_space<hbm>>
    %dma_wait3A_442 = tpu.memref_squeeze %dma_wait3A_441 : memref<1x1x8x128xf32, #tpu.memory_space<hbm>> -> memref<8x128xf32, #tpu.memory_space<hbm>>
    %dma_wait3A_443 = arith.constant 0 : i32
    %dma_wait3A_444 = arith.constant 0 : i32
    %dma_wait3A_445 = tpu.memref_slice %arg4[%dma_wait3A_435, %add3A_166, %dma_wait3A_443, %dma_wait3A_444] : memref<4x128x8x128xf32, #tpu.memory_space<hbm>> -> memref<1x1x8x128xf32, #tpu.memory_space<hbm>>
    %dma_wait3A_446 = tpu.memref_squeeze %dma_wait3A_445 : memref<1x1x8x128xf32, #tpu.memory_space<hbm>> -> memref<8x128xf32, #tpu.memory_space<hbm>>
    %dma_wait3A_447 = arith.constant 16 : i32
    %dma_wait3A_448 = arith.constant 0 : i32
    %dma_wait3A_449 = tpu.memref_slice %arg7[%dma_wait3A_447, %dma_wait3A_448] : memref<32x512xf32, #tpu.memory_space<vmem>> -> memref<8x128xf32, #tpu.memory_space<vmem>>
    tpu.wait_dma2 semaphore(%arg9 : memref<!tpu.dma_semaphore, #tpu.memory_space<semaphore_mem>>) src(%dma_wait3A_449 : memref<8x128xf32, #tpu.memory_space<vmem>>) dst(%dma_wait3A_446 : memref<8x128xf32, #tpu.memory_space<hbm>>)
    %dma_wait3A_450 = arith.constant 2 : i32
    %dma_wait3A_451 = arith.constant 16 : i32
    %dma_wait3A_452 = arith.constant 128 : i32
    %dma_wait3A_453 = tpu.memref_slice %arg7[%dma_wait3A_451, %dma_wait3A_452] : memref<32x512xf32, #tpu.memory_space<vmem>> -> memref<8x128xf32, #tpu.memory_space<vmem>>
    %dma_wait3A_454 = arith.constant 0 : i32
    %dma_wait3A_455 = arith.constant 0 : i32
    %dma_wait3A_456 = tpu.memref_slice %arg4[%dma_wait3A_450, %add3A_185, %dma_wait3A_454, %dma_wait3A_455] : memref<4x128x8x128xf32, #tpu.memory_space<hbm>> -> memref<1x1x8x128xf32, #tpu.memory_space<hbm>>
    %dma_wait3A_457 = tpu.memref_squeeze %dma_wait3A_456 : memref<1x1x8x128xf32, #tpu.memory_space<hbm>> -> memref<8x128xf32, #tpu.memory_space<hbm>>
    %dma_wait3A_458 = arith.constant 0 : i32
    %dma_wait3A_459 = arith.constant 0 : i32
    %dma_wait3A_460 = tpu.memref_slice %arg4[%dma_wait3A_450, %add3A_185, %dma_wait3A_458, %dma_wait3A_459] : memref<4x128x8x128xf32, #tpu.memory_space<hbm>> -> memref<1x1x8x128xf32, #tpu.memory_space<hbm>>
    %dma_wait3A_461 = tpu.memref_squeeze %dma_wait3A_460 : memref<1x1x8x128xf32, #tpu.memory_space<hbm>> -> memref<8x128xf32, #tpu.memory_space<hbm>>
    %dma_wait3A_462 = arith.constant 16 : i32
    %dma_wait3A_463 = arith.constant 128 : i32
    %dma_wait3A_464 = tpu.memref_slice %arg7[%dma_wait3A_462, %dma_wait3A_463] : memref<32x512xf32, #tpu.memory_space<vmem>> -> memref<8x128xf32, #tpu.memory_space<vmem>>
    tpu.wait_dma2 semaphore(%arg9 : memref<!tpu.dma_semaphore, #tpu.memory_space<semaphore_mem>>) src(%dma_wait3A_464 : memref<8x128xf32, #tpu.memory_space<vmem>>) dst(%dma_wait3A_461 : memref<8x128xf32, #tpu.memory_space<hbm>>)
    %dma_wait3A_465 = arith.constant 2 : i32
    %dma_wait3A_466 = arith.constant 16 : i32
    %dma_wait3A_467 = arith.constant 256 : i32
    %dma_wait3A_468 = tpu.memref_slice %arg7[%dma_wait3A_466, %dma_wait3A_467] : memref<32x512xf32, #tpu.memory_space<vmem>> -> memref<8x128xf32, #tpu.memory_space<vmem>>
    %dma_wait3A_469 = arith.constant 0 : i32
    %dma_wait3A_470 = arith.constant 0 : i32
    %dma_wait3A_471 = tpu.memref_slice %arg4[%dma_wait3A_465, %add3A_204, %dma_wait3A_469, %dma_wait3A_470] : memref<4x128x8x128xf32, #tpu.memory_space<hbm>> -> memref<1x1x8x128xf32, #tpu.memory_space<hbm>>
    %dma_wait3A_472 = tpu.memref_squeeze %dma_wait3A_471 : memref<1x1x8x128xf32, #tpu.memory_space<hbm>> -> memref<8x128xf32, #tpu.memory_space<hbm>>
    %dma_wait3A_473 = arith.constant 0 : i32
    %dma_wait3A_474 = arith.constant 0 : i32
    %dma_wait3A_475 = tpu.memref_slice %arg4[%dma_wait3A_465, %add3A_204, %dma_wait3A_473, %dma_wait3A_474] : memref<4x128x8x128xf32, #tpu.memory_space<hbm>> -> memref<1x1x8x128xf32, #tpu.memory_space<hbm>>
    %dma_wait3A_476 = tpu.memref_squeeze %dma_wait3A_475 : memref<1x1x8x128xf32, #tpu.memory_space<hbm>> -> memref<8x128xf32, #tpu.memory_space<hbm>>
    %dma_wait3A_477 = arith.constant 16 : i32
    %dma_wait3A_478 = arith.constant 256 : i32
    %dma_wait3A_479 = tpu.memref_slice %arg7[%dma_wait3A_477, %dma_wait3A_478] : memref<32x512xf32, #tpu.memory_space<vmem>> -> memref<8x128xf32, #tpu.memory_space<vmem>>
    tpu.wait_dma2 semaphore(%arg9 : memref<!tpu.dma_semaphore, #tpu.memory_space<semaphore_mem>>) src(%dma_wait3A_479 : memref<8x128xf32, #tpu.memory_space<vmem>>) dst(%dma_wait3A_476 : memref<8x128xf32, #tpu.memory_space<hbm>>)
    %dma_wait3A_480 = arith.constant 2 : i32
    %dma_wait3A_481 = arith.constant 16 : i32
    %dma_wait3A_482 = arith.constant 384 : i32
    %dma_wait3A_483 = tpu.memref_slice %arg7[%dma_wait3A_481, %dma_wait3A_482] : memref<32x512xf32, #tpu.memory_space<vmem>> -> memref<8x128xf32, #tpu.memory_space<vmem>>
    %dma_wait3A_484 = arith.constant 0 : i32
    %dma_wait3A_485 = arith.constant 0 : i32
    %dma_wait3A_486 = tpu.memref_slice %arg4[%dma_wait3A_480, %add3A_223, %dma_wait3A_484, %dma_wait3A_485] : memref<4x128x8x128xf32, #tpu.memory_space<hbm>> -> memref<1x1x8x128xf32, #tpu.memory_space<hbm>>
    %dma_wait3A_487 = tpu.memref_squeeze %dma_wait3A_486 : memref<1x1x8x128xf32, #tpu.memory_space<hbm>> -> memref<8x128xf32, #tpu.memory_space<hbm>>
    %dma_wait3A_488 = arith.constant 0 : i32
    %dma_wait3A_489 = arith.constant 0 : i32
    %dma_wait3A_490 = tpu.memref_slice %arg4[%dma_wait3A_480, %add3A_223, %dma_wait3A_488, %dma_wait3A_489] : memref<4x128x8x128xf32, #tpu.memory_space<hbm>> -> memref<1x1x8x128xf32, #tpu.memory_space<hbm>>
    %dma_wait3A_491 = tpu.memref_squeeze %dma_wait3A_490 : memref<1x1x8x128xf32, #tpu.memory_space<hbm>> -> memref<8x128xf32, #tpu.memory_space<hbm>>
    %dma_wait3A_492 = arith.constant 16 : i32
    %dma_wait3A_493 = arith.constant 384 : i32
    %dma_wait3A_494 = tpu.memref_slice %arg7[%dma_wait3A_492, %dma_wait3A_493] : memref<32x512xf32, #tpu.memory_space<vmem>> -> memref<8x128xf32, #tpu.memory_space<vmem>>
    tpu.wait_dma2 semaphore(%arg9 : memref<!tpu.dma_semaphore, #tpu.memory_space<semaphore_mem>>) src(%dma_wait3A_494 : memref<8x128xf32, #tpu.memory_space<vmem>>) dst(%dma_wait3A_491 : memref<8x128xf32, #tpu.memory_space<hbm>>)
    %dma_wait3A_495 = arith.constant 3 : i32
    %dma_wait3A_496 = arith.constant 24 : i32
    %dma_wait3A_497 = arith.constant 0 : i32
    %dma_wait3A_498 = tpu.memref_slice %arg7[%dma_wait3A_496, %dma_wait3A_497] : memref<32x512xf32, #tpu.memory_space<vmem>> -> memref<8x128xf32, #tpu.memory_space<vmem>>
    %dma_wait3A_499 = arith.constant 0 : i32
    %dma_wait3A_500 = arith.constant 0 : i32
    %dma_wait3A_501 = tpu.memref_slice %arg4[%dma_wait3A_495, %add3A_242, %dma_wait3A_499, %dma_wait3A_500] : memref<4x128x8x128xf32, #tpu.memory_space<hbm>> -> memref<1x1x8x128xf32, #tpu.memory_space<hbm>>
    %dma_wait3A_502 = tpu.memref_squeeze %dma_wait3A_501 : memref<1x1x8x128xf32, #tpu.memory_space<hbm>> -> memref<8x128xf32, #tpu.memory_space<hbm>>
    %dma_wait3A_503 = arith.constant 0 : i32
    %dma_wait3A_504 = arith.constant 0 : i32
    %dma_wait3A_505 = tpu.memref_slice %arg4[%dma_wait3A_495, %add3A_242, %dma_wait3A_503, %dma_wait3A_504] : memref<4x128x8x128xf32, #tpu.memory_space<hbm>> -> memref<1x1x8x128xf32, #tpu.memory_space<hbm>>
    %dma_wait3A_506 = tpu.memref_squeeze %dma_wait3A_505 : memref<1x1x8x128xf32, #tpu.memory_space<hbm>> -> memref<8x128xf32, #tpu.memory_space<hbm>>
    %dma_wait3A_507 = arith.constant 24 : i32
    %dma_wait3A_508 = arith.constant 0 : i32
    %dma_wait3A_509 = tpu.memref_slice %arg7[%dma_wait3A_507, %dma_wait3A_508] : memref<32x512xf32, #tpu.memory_space<vmem>> -> memref<8x128xf32, #tpu.memory_space<vmem>>
    tpu.wait_dma2 semaphore(%arg9 : memref<!tpu.dma_semaphore, #tpu.memory_space<semaphore_mem>>) src(%dma_wait3A_509 : memref<8x128xf32, #tpu.memory_space<vmem>>) dst(%dma_wait3A_506 : memref<8x128xf32, #tpu.memory_space<hbm>>)
    %dma_wait3A_510 = arith.constant 3 : i32
    %dma_wait3A_511 = arith.constant 24 : i32
    %dma_wait3A_512 = arith.constant 128 : i32
    %dma_wait3A_513 = tpu.memref_slice %arg7[%dma_wait3A_511, %dma_wait3A_512] : memref<32x512xf32, #tpu.memory_space<vmem>> -> memref<8x128xf32, #tpu.memory_space<vmem>>
    %dma_wait3A_514 = arith.constant 0 : i32
    %dma_wait3A_515 = arith.constant 0 : i32
    %dma_wait3A_516 = tpu.memref_slice %arg4[%dma_wait3A_510, %add3A_261, %dma_wait3A_514, %dma_wait3A_515] : memref<4x128x8x128xf32, #tpu.memory_space<hbm>> -> memref<1x1x8x128xf32, #tpu.memory_space<hbm>>
    %dma_wait3A_517 = tpu.memref_squeeze %dma_wait3A_516 : memref<1x1x8x128xf32, #tpu.memory_space<hbm>> -> memref<8x128xf32, #tpu.memory_space<hbm>>
    %dma_wait3A_518 = arith.constant 0 : i32
    %dma_wait3A_519 = arith.constant 0 : i32
    %dma_wait3A_520 = tpu.memref_slice %arg4[%dma_wait3A_510, %add3A_261, %dma_wait3A_518, %dma_wait3A_519] : memref<4x128x8x128xf32, #tpu.memory_space<hbm>> -> memref<1x1x8x128xf32, #tpu.memory_space<hbm>>
    %dma_wait3A_521 = tpu.memref_squeeze %dma_wait3A_520 : memref<1x1x8x128xf32, #tpu.memory_space<hbm>> -> memref<8x128xf32, #tpu.memory_space<hbm>>
    %dma_wait3A_522 = arith.constant 24 : i32
    %dma_wait3A_523 = arith.constant 128 : i32
    %dma_wait3A_524 = tpu.memref_slice %arg7[%dma_wait3A_522, %dma_wait3A_523] : memref<32x512xf32, #tpu.memory_space<vmem>> -> memref<8x128xf32, #tpu.memory_space<vmem>>
    tpu.wait_dma2 semaphore(%arg9 : memref<!tpu.dma_semaphore, #tpu.memory_space<semaphore_mem>>) src(%dma_wait3A_524 : memref<8x128xf32, #tpu.memory_space<vmem>>) dst(%dma_wait3A_521 : memref<8x128xf32, #tpu.memory_space<hbm>>)
    %dma_wait3A_525 = arith.constant 3 : i32
    %dma_wait3A_526 = arith.constant 24 : i32
    %dma_wait3A_527 = arith.constant 256 : i32
    %dma_wait3A_528 = tpu.memref_slice %arg7[%dma_wait3A_526, %dma_wait3A_527] : memref<32x512xf32, #tpu.memory_space<vmem>> -> memref<8x128xf32, #tpu.memory_space<vmem>>
    %dma_wait3A_529 = arith.constant 0 : i32
    %dma_wait3A_530 = arith.constant 0 : i32
    %dma_wait3A_531 = tpu.memref_slice %arg4[%dma_wait3A_525, %add3A_280, %dma_wait3A_529, %dma_wait3A_530] : memref<4x128x8x128xf32, #tpu.memory_space<hbm>> -> memref<1x1x8x128xf32, #tpu.memory_space<hbm>>
    %dma_wait3A_532 = tpu.memref_squeeze %dma_wait3A_531 : memref<1x1x8x128xf32, #tpu.memory_space<hbm>> -> memref<8x128xf32, #tpu.memory_space<hbm>>
    %dma_wait3A_533 = arith.constant 0 : i32
    %dma_wait3A_534 = arith.constant 0 : i32
    %dma_wait3A_535 = tpu.memref_slice %arg4[%dma_wait3A_525, %add3A_280, %dma_wait3A_533, %dma_wait3A_534] : memref<4x128x8x128xf32, #tpu.memory_space<hbm>> -> memref<1x1x8x128xf32, #tpu.memory_space<hbm>>
    %dma_wait3A_536 = tpu.memref_squeeze %dma_wait3A_535 : memref<1x1x8x128xf32, #tpu.memory_space<hbm>> -> memref<8x128xf32, #tpu.memory_space<hbm>>
    %dma_wait3A_537 = arith.constant 24 : i32
    %dma_wait3A_538 = arith.constant 256 : i32
    %dma_wait3A_539 = tpu.memref_slice %arg7[%dma_wait3A_537, %dma_wait3A_538] : memref<32x512xf32, #tpu.memory_space<vmem>> -> memref<8x128xf32, #tpu.memory_space<vmem>>
    tpu.wait_dma2 semaphore(%arg9 : memref<!tpu.dma_semaphore, #tpu.memory_space<semaphore_mem>>) src(%dma_wait3A_539 : memref<8x128xf32, #tpu.memory_space<vmem>>) dst(%dma_wait3A_536 : memref<8x128xf32, #tpu.memory_space<hbm>>)
    %dma_wait3A_540 = arith.constant 3 : i32
    %dma_wait3A_541 = arith.constant 24 : i32
    %dma_wait3A_542 = arith.constant 384 : i32
    %dma_wait3A_543 = tpu.memref_slice %arg7[%dma_wait3A_541, %dma_wait3A_542] : memref<32x512xf32, #tpu.memory_space<vmem>> -> memref<8x128xf32, #tpu.memory_space<vmem>>
    %dma_wait3A_544 = arith.constant 0 : i32
    %dma_wait3A_545 = arith.constant 0 : i32
    %dma_wait3A_546 = tpu.memref_slice %arg4[%dma_wait3A_540, %add3A_299, %dma_wait3A_544, %dma_wait3A_545] : memref<4x128x8x128xf32, #tpu.memory_space<hbm>> -> memref<1x1x8x128xf32, #tpu.memory_space<hbm>>
    %dma_wait3A_547 = tpu.memref_squeeze %dma_wait3A_546 : memref<1x1x8x128xf32, #tpu.memory_space<hbm>> -> memref<8x128xf32, #tpu.memory_space<hbm>>
    %dma_wait3A_548 = arith.constant 0 : i32
    %dma_wait3A_549 = arith.constant 0 : i32
    %dma_wait3A_550 = tpu.memref_slice %arg4[%dma_wait3A_540, %add3A_299, %dma_wait3A_548, %dma_wait3A_549] : memref<4x128x8x128xf32, #tpu.memory_space<hbm>> -> memref<1x1x8x128xf32, #tpu.memory_space<hbm>>
    %dma_wait3A_551 = tpu.memref_squeeze %dma_wait3A_550 : memref<1x1x8x128xf32, #tpu.memory_space<hbm>> -> memref<8x128xf32, #tpu.memory_space<hbm>>
    %dma_wait3A_552 = arith.constant 24 : i32
    %dma_wait3A_553 = arith.constant 384 : i32
    %dma_wait3A_554 = tpu.memref_slice %arg7[%dma_wait3A_552, %dma_wait3A_553] : memref<32x512xf32, #tpu.memory_space<vmem>> -> memref<8x128xf32, #tpu.memory_space<vmem>>
    tpu.wait_dma2 semaphore(%arg9 : memref<!tpu.dma_semaphore, #tpu.memory_space<semaphore_mem>>) src(%dma_wait3A_554 : memref<8x128xf32, #tpu.memory_space<vmem>>) dst(%dma_wait3A_551 : memref<8x128xf32, #tpu.memory_space<hbm>>)
    return
  }
}

</mosaic_0001>

<sc_bundles>
// kernel: kernel.3.cloned.1.call-start
scs
__scs_entry_jumppad:
0x0: {  	(pc) =	sbr.rel $0x88, $3  }
0x1: {  	(tag) =	ssettag $0x0;
	lr =	simm.s32 $0x1  }
0x2: {  	[smem:$0x3F9F] =	sst lr;
	_ =	strace $0xD0000000  }
0x3: {  	_ = 	snop  }
0x4: {  	_ = 	snop  }
0x5: {  	_ = 	snop  }
0x6: {  	_ = 	snop  }
0x7: {  	_ = 	snop  }
__scs_overlays_trampoline_lowered:
0x8: {  	[smem:$0x3FAE] =	sst s0  }
0x9: {  	[smem:$0x3FAF] =	sst s1  }
0xa: {  	[smem:$0x3FB0] =	sst s2  }
0xb: {  	[smem:$0x3FB1] =	sst s3  }
0xc: {  	[smem:$0x3FB2] =	sst s4  }
0xd: {  	[smem:$0x3FB3] =	sst s5  }
0xe: {  	[smem:$0x3FB4] =	sst s6  }
0xf: {  	[smem:$0x3FB5] =	sst s7  }
0x10: {  	[smem:$0x3FB6] =	sst s8  }
0x11: {  	[smem:$0x3FB7] =	sst s9;
	s0 =	simm.s32 @!p0 $0x0  }
0x12: {  	s1 =	sld [smem:$0x3F9D];
	s0 =	simm.s32 @p0 $0x1  }
0x13: {  	[smem:$0x3FB8] =	sst s0;
	s0 =	simm.s32 @!p1 $0x0  }
0x14: {  	s2 =	sld [smem:$0x3F9C];
	s0 =	simm.s32 @p1 $0x1  }
0x15: {  	[smem:$0x3FB9] =	sst s0;
	s0 =	simm.s32 @!p2 $0x0  }
0x16: {  	s3 =	sld [smem:$0x3FDB];
	s0 =	simm.s32 @p2 $0x1  }
0x17: {  	s4 =	simm.s32 $0x1BF5;
	[smem:$0x3FBB] =	sst s0  }
0x18: {  	s0 =	sld [smem:$0x3F9E];
	_ =	swait.ge [sflag:s4], $0x0  }
0x19: {  	s7 =	sld [smem:$0x3F9F]  }
0x1a: {  	s8 =	sadd.s32 $0xFFFFE003, lr  }
0x1b: {  	s9 =	sadd.s32 $0xFFFFFEF7, lr;
	s5 =	simm.s32 $0xFFFFFFFF;
	p2 =	slt.u32 s8, $0xFFFFF086  }
0x1c: {  	p1 =	slt.u32 s9, $0xF7A;
	s5 =	simm.s32 @!p2 $0x0  }
0x1d: {  	s5 =	simm.s32 @p1 $0x1;
	p0 =	seq.s32 s7, s2  }
0x1e: {  	s7 =	smul.u32 @!p0 $0xF7A, s2;
	p2 =	seq.s32 @!p0 s5, $0x0  }
0x1f: {  	s9 =	smul.u32 $0xF7A, s1;
	s8 =	simm.s32 @!p0 $0x1BF5;
	p2 =	por !p2, p0  }
0x20: {  	[sflag:s8] =	ssyncset.s32 @!p0 $0xFFFFF086;
	s6 =	sadd.s32 @!p0 s3, s7;
	s7 =	simm.s32 @!p0 $0x108  }
0x21: {  	s3 =	sadd.s32 s3, s9;
	s6 =	sadd.s32 @!p0 $0x88, s6;
	s7 =	simm.s32 @p2 $0x1082  }
0x22: {  	[simem:s7], [sflag:s8] =	dma.local @!p0 [hbm:s6], $0xF7A  }
0x23: {  	s9 =	sor.u32 $0xD0000000, s2;
	s6 =	simm.s32 $0x108;
	_ =	swait.ge @!p0 [sflag:s8], $0x0  }
0x24: {  	s3 =	sadd.s32 $0x88, s3;
	s6 =	simm.s32 @!p1 $0x1082;
	[sflag:s4] =	ssyncset.s32 $0xFFFFF086  }
0x25: {  	[simem:s6], [sflag:s4] =	dma.local [hbm:s3], $0xF7A  }
0x26: {  	[smem:$0x3F9F] =	sst s1;
	(tag) =	ssettag s2;
	_ =	strace s9  }
0x27: {  	s1 =	sld [smem:$0x3FAF]  }
0x28: {  	s2 =	sld [smem:$0x3FB0]  }
0x29: {  	s4 =	sld [smem:$0x3FB2]  }
0x2a: {  	p0 =	seq.s32 s5, $0x0;
	s5 =	sld [smem:$0x3FB3]  }
0x2b: {  	s6 =	sld [smem:$0x3FB4]  }
0x2c: {  	s7 =	sld [smem:$0x3FB5]  }
0x2d: {  	s3 =	simm.s32 $0x108;
	s8 =	sld [smem:$0x3FB6]  }
0x2e: {  	s3 =	simm.s32 @!p0 $0x1082;
	s9 =	sld [smem:$0x3FB7]  }
0x2f: {  	lr =	sadd.s32 s0, s3;
	s0 =	sld [smem:$0x3FAE]  }
0x30: {  	s3 =	sld [smem:$0x3FB1]  }
0x31: {  	[smem:$0x3FBA] =	sst s10  }
0x32: {  	s10 =	sld [smem:$0x3FB8];
	_ =	sdelay $0x3  }
0x33: {  	p0 =	seq.s32 s10, $0x1;
	s10 =	sld [smem:$0x3FBA];
	_ =	sdelay $0x3  }
0x34: {  	[smem:$0x3FBA] =	sst s10  }
0x35: {  	s10 =	sld [smem:$0x3FB9];
	_ =	sdelay $0x3  }
0x36: {  	p1 =	seq.s32 s10, $0x1;
	s10 =	sld [smem:$0x3FBA];
	_ =	sdelay $0x3  }
0x37: {  	[smem:$0x3FBA] =	sst s10  }
0x38: {  	s10 =	sld [smem:$0x3FBB]  }
0x39: {  	_ = 	snop;
	(pc) =	sbr.ind lr, $3  }
0x3a: {  	_ = 	snop  }
0x3b: {  	_ = 	snop  }
0x3c: {  	p2 =	seq.s32 s10, $0x1;
	s10 =	sld [smem:$0x3FBA]  }
0x3d: {  	_ =	shalt  }
0x3e: {  	_ =	shalt  }
0x3f: {  	_ =	shalt  }
0x40: {  	_ =	shalt  }
0x41: {  	_ =	shalt  }
0x42: {  	_ =	shalt  }
0x43: {  	_ =	shalt  }
0x44: {  	_ =	shalt  }
0x45: {  	_ =	shalt  }
0x46: {  	_ =	shalt  }
0x47: {  	_ =	shalt  }
0x48: {  	_ =	shalt  }
0x49: {  	_ =	shalt  }
0x4a: {  	_ =	shalt  }
0x4b: {  	_ =	shalt  }
0x4c: {  	_ =	shalt  }
0x4d: {  	_ =	shalt  }
0x4e: {  	_ =	shalt  }
0x4f: {  	_ =	shalt  }
0x50: {  	_ =	shalt  }
0x51: {  	_ =	shalt  }
0x52: {  	_ =	shalt  }
0x53: {  	_ =	shalt  }
0x54: {  	_ =	shalt  }
0x55: {  	_ =	shalt  }
0x56: {  	_ =	shalt  }
0x57: {  	_ =	shalt  }
0x58: {  	_ =	shalt  }
0x59: {  	_ =	shalt  }
0x5a: {  	_ =	shalt  }
0x5b: {  	_ =	shalt  }
0x5c: {  	_ =	shalt  }
0x5d: {  	_ =	shalt  }
0x5e: {  	_ =	shalt  }
0x5f: {  	_ =	shalt  }
0x60: {  	_ =	shalt  }
0x61: {  	_ =	shalt  }
0x62: {  	_ =	shalt  }
0x63: {  	_ =	shalt  }
0x64: {  	_ =	shalt  }
0x65: {  	_ =	shalt  }
0x66: {  	_ =	shalt  }
0x67: {  	_ =	shalt  }
0x68: {  	_ =	shalt  }
0x69: {  	_ =	shalt  }
0x6a: {  	_ =	shalt  }
0x6b: {  	_ =	shalt  }
0x6c: {  	_ =	shalt  }
0x6d: {  	_ =	shalt  }
0x6e: {  	_ =	shalt  }
0x6f: {  	_ =	shalt  }
0x70: {  	_ =	shalt  }
0x71: {  	_ =	shalt  }
0x72: {  	_ =	shalt  }
0x73: {  	_ =	shalt  }
0x74: {  	_ =	shalt  }
0x75: {  	_ =	shalt  }
0x76: {  	_ =	shalt  }
0x77: {  	_ =	shalt  }
0x78: {  	_ =	shalt  }
0x79: {  	_ =	shalt  }
0x7a: {  	_ =	shalt  }
0x7b: {  	_ =	shalt  }
0x7c: {  	_ =	shalt  }
0x7d: {  	_ =	shalt  }
0x7e: {  	_ =	shalt  }
0x7f: {  	_ =	shalt  }
0x80: {  	_ =	shalt  }
0x81: {  	_ =	shalt  }
0x82: {  	_ =	shalt  }
0x83: {  	_ =	shalt  }
0x84: {  	_ =	shalt  }
0x85: {  	_ =	shalt  }
0x86: {  	_ =	shalt  }
0x87: {  	_ =	shalt  }
.Lfunc_end0:
.L_simem_size_0:
called_computation_lowered:
.L_overlay_start_0:
0x88: {  	s2 =	sld [smem:$0x3FD9]  }
0x89: {  	s3 =	sld [smem:$0x3FFE];
	_ =	sdelay $0x1  }
0x8a: {  	s1 =	srdreg.scid  }
0x8b: {  	s0 =	sand.u32 $0x1, s1  }
0x8c: {  	s17 =	sshll.u32 s0, $0xA;
	s2 =	sadd.s32 s3, s2  }
0x8d: {  	s2 =	sadd.s32 s2, s17  }
0x8e: {  	[smem:$0x3FC6] =	sst s2  }
0x8f: {  	_ = 	snop  }
0x90: {  	s2 =	sld [smem:$0x3FC9]  }
0x91: {  	s18 =	sld [smem:$0x3FD0];
	(tm) =	ssettm $0x1  }
0x92: {  	s4 =	sld [smem:$0x3FFB];
	_ =	sdelay $0x3  }
0x93: {  	_ =	strace s4  }
0x94: {  	s4 =	sld [smem:$0x3FFC];
	_ =	sdelay $0x3  }
0x95: {  	_ =	strace s4  }
0x96: {  	s4 =	sld [smem:$0x3FFD];
	_ =	sdelay $0x3  }
0x97: {  	_ =	strace s4  }
0x98: {  	_ =	strace $0x8FFFFFFF  }
0x99: {  	s19 =	sld [smem:$0x3FDB];
	_ =	sdelay $0x1  }
0x9a: {  	s5 =	simm.s32 $_scs_section_size  }
0x9b: {  	s6 =	simm.s32 $_size__tile_overlayer_lowered;
	s7 =	simm.s32 $_tile_overlayer_lowered  }
0x9c: {  	s22 =	simm.s32 $0x1BFF;
	s21 =	sshll.u32 s7, $0x1;
	s4 =	sadd.s32 s5, s19  }
0x9d: {  	s8 =	simm.s32 $0x0;
	s20 =	sshll.u32 s6, $0x1;
	s6 =	sadd.s32 s21, s4  }
0x9e: {  	[timem:s8], [sflag:s22] =	dma.local [hbm:s6], s20  }
0x9f: {  	_ =	swait.ge [sflag:s22], s20  }
0xa0: {  	s5 =	ssub.s32 $0x0, s20;
	[sflag:s22] =	ssyncset.done $0x0  }
0xa1: {  	[sflag:s22] =	ssyncadd.s32 s5;
	_ =	sdelay $0x1  }
0xa2: {  	s23 =	simm.s32 $0x1B8B  }
0xa3: {  	_ =	swait.ge [sflag:s23], $0x1  }
0xa4: {  	[sflag:s23] =	ssyncset.done $0x0  }
0xa5: {  	s25 =	simm.s32 $0x1B8E;
	s24 =	sld [smem:$0x3FFE];
	[sflag:s23] =	ssyncadd.s32 $0xFFFFFFFF  }
0xa6: {  	s26 =	simm.s32 $execute0_lowered;
	[smem:$0x3FD2] =	sst s25  }
0xa7: {  	s6 =	sshll.u32 s26, $0x1;
	_ =	strace $0x80000046;
	[dreg:$0x1] =	wrdreg $0xFFFFFFFF  }
0xa8: {  	s28 =	simm.s32 $_size_execute0_lowered;
	s4 =	sadd.s32 s4, s6;
	[dreg:$0x0] =	wrdreg $0x0  }
0xa9: {  	s6 =	sshll.u32 s28, $0x1;
	[dreg:$0x2] =	wrdreg s4  }
0xaa: {  	[dreg:$0x3] =	wrdreg s6  }
0xab: {  	[dreg:$0x4] =	wrdreg $0xC0  }
0xac: {  	_ =	task [dreg:s8], $0x5FFFF  }
0xad: {  	[dreg:$0x1] =	wrdreg $0xFFFFFFFF  }
0xae: {  	[dreg:$0x0] =	wrdreg $0x60  }
0xaf: {  	[dreg:$0x2] =	wrdreg s2  }
0xb0: {  	[dreg:$0x3] =	wrdreg s24  }
0xb1: {  	[dreg:$0x4] =	wrdreg s18  }
0xb2: {  	[dreg:$0x5] =	wrdreg $0x9  }
0xb3: {  	_ =	task.clear_ibuf [dreg:s8], $0x6FFFF;
	_ =	strace $0x90000046  }
0xb4: {  	s29 =	simm.s32 $0x9;
	_ =	strace $0x80000048  }
0xb5: {  	_ =	swait.ge [sflag:s29], $0x1  }
0xb6: {  	[sflag:s29] =	ssyncadd.s32 $0xFFFFFFFF  }
0xb7: {  	_ =	strace $0x90000048  }
0xb8: {  	_ =	sfence  }
0xb9: {  	s30 =	sld [smem:$0x0];
	_ =	sdelay $0x2  }
0xba: {  	s31 =	sshll.u32 s1, $0xD;
	s1 =	sshrl.u32 s1, $0x2  }
0xbb: {  	s3 =	sand.u32 $0x4000, s31;
	s1 =	sadd.s32 s1, s30  }
0xbc: {  	s0 =	sor.u32 s3, s0;
	s1 =	sshll.u32 s1, $0x11  }
0xbd: {  	s0 =	sor.u32 s1, s0  }
0xbe: {  	s0 =	sadd.s32 $0x8F2B, s0  }
0xbf: {  	[sflag:s0] =	ssyncadd.remote.s32 $0x1  }
0xc0: {  	_ =	sfence.sel $0xFFFF  }
0xc1: {  	[dreg:$0x0] =	wrdreg $0xFFFFFFFF;
	(pc) =	sbr.abs _section_cstart, $3  }
0xc2: {  	[dreg:$0x1] =	wrdreg $0xFFFFFFFF  }
0xc3: {  	_ =	task.clear_ibuf [dreg:s8], $0x2FFFF;
	_ =	strace $0x9FFFFFFF  }
0xc4: {  	(tm) =	ssettm $0x7FFFFFFF  }
0xc5: {  	_ =	shalt  }
tec
execute0_lowered:
.L_overlay_start_1:
0x0: {  	(tag) =	ssettag $0x1  }
0x1: {  	s0 =	rddreg [dreg:$0x0]  }
0x2: {  	s1 =	rddreg [dreg:$0x1]  }
0x3: {  	s4 =	rddreg [dreg:$0x2]  }
0x4: {  	s2 =	simm.s32 $0x0;
	s3 =	srdreg.scid;
	s5 =	stileid.u32  }
0x5: {  	s22 =	simm.s32 $0x3;
	s23 =	simm.s32 $0x200;
	s24 =	simm.s32 $0x1  }
0x6: {  	s25 =	simm.s32 $0x4200;
	s26 =	simm.s32 $0x8180;
	s28 =	simm.s32 $0x2  }
0x7: {  	[smem:$0x7FF] =	sst s2;
	s3 =	sand.u32 $0x1, s3;
	s5 =	sshll.u32 s5, $0x1  }
0x8: {  	s29 =	simm.s32 $0x0;
	_ =	strace $0x80000047;
	s5 =	sor.u32 s3, s5  }
0x9: {  	s6 =	ssub.s32 $0x2, s3;
	s3 =	sadd.s32 $0x400, s1;
	s7 =	sshll.u32 s5, $0x9  }
0xa: {  	s31 =	sshrl.u32 s6, $0x1;
	s5 =	sshll.u32 s5, $0x6;
	s4 =	sadd.s32 s4, s7  }
0xb: {  	s1 =	ssub.s32 s6, s31;
	s5 =	sadd.s32 s0, s5;
	s6 =	sadd.s32 $0x80, s4  }
0xc: {  	s7 =	sadd.s32 $0x100, s4;
	s8 =	sadd.s32 $0x180, s4;
	s9 =	sadd.s32 $0x4000, s4  }
0xd: {  	s10 =	sadd.s32 $0x4080, s4;
	s11 =	sadd.s32 $0x4100, s4;
	s12 =	sadd.s32 $0x4180, s4  }
0xe: {  	s13 =	sadd.s32 $0x8000, s4;
	s14 =	sadd.s32 $0x8080, s4;
	s15 =	sadd.s32 $0x8100, s4  }
0xf: {  	v0 =	vlaneseq.u32;
	s16 =	sadd.s32 $0x8180, s4;
	s17 =	sadd.s32 $0xC000, s4;
	s18 =	sadd.s32 $0xC080, s4  }
0x10: {  	v1 =	vand.u32 $0x7, v0;
	v2 =	vor.u32 $0x1F8, v0;
	s19 =	sadd.s32 $0xC100, s4;
	s20 =	sadd.s32 $0xC180, s4;
	s21 =	smax.u32 s1, $0x1  }
.LBB2_1:
0x11: {  	[tilespmem:s2], [sflag:$0x3] =	stream.linear.gather [hbm4b:s5+s2], $0x200, $0x38;
	[tilespmem:$0x8200] =	vst v63  }
0x12: {  	_ =	swait.ge [sflag:s22], $0x200  }
0x13: {  	[sflag:s22] =	ssyncset.done $0x0  }
0x14: {  	[sflag:s22] =	ssyncadd.s32 $0xFFFFFE00  }
0x15: {  	[tilespmem:s23], [sflag:$0x1] =	stream.indirect.gather [hbm4b:s3+s23], $0x20, s2, s23, $0xb8;
	[tilespmem:$0x8200] =	vst v63  }
0x16: {  	_ =	swait.ge [sflag:s24], $0x4000  }
0x17: {  	[sflag:s24] =	ssyncset.done $0x0  }
0x18: {  	s30 =	simm.s32 $0x0;
	[sflag:s24] =	ssyncadd.s32 $0xFFFFC000  }
.LBB2_2:
0x19: {  	s0 =	sshll.u32 s30, $0x4  }
0x1a: {  	s1 =	simm.s32 $0x0;
	v4 =	vor.u32 s0, v0  }
0x1b: {  	v6 =	vadd.s32 s1, v0;
	v3 =	vshll.u32 v4, $0x5  }
0x1c: {  	v7 =	vand.u32 $0x18, v6;
	v5 =	vor.u32 v1, v3  }
0x1d: {  	v7 =	vor.u32 v7, v5;
	_ =	sdelay $0x2  }
0x1e: {  	s1 =	simm.s32 $0x1;
	v6 =	vshll.u32 v6, $0x9  }
0x1f: {  	v4 =	vand.u32 v2, v4;
	v8 =	vadd.s32 s1, v0;
	v6 =	vand.u32 $0x3E00, v6  }
0x20: {  	v9 =	vand.u32 $0x1F, v8;
	v6 =	vor.u32 v6, v4;
	v7 =	vld.idx.msk [tilespmem:v7+s23+$0x0], $0xffff  }
0x21: {  	v9 =	vor.u32 v3, v9;
	_ =	sdelay $0x2  }
0x22: {  	s1 =	simm.s32 $0x2;
	v8 =	vshll.u32 v8, $0x9  }
0x23: {  	[tilespmem:v6+s25+$0x0] =	vst.idx.msk $0xffff, v7;
	v6 =	vand.u32 $0x3E00, v8;
	v7 =	vadd.s32 s1, v0  }
0x24: {  	v8 =	vld.idx.msk [tilespmem:v9+s23+$0x0], $0xffff;
	v6 =	vor.u32 v6, v4;
	v58 =	vand.u32 $0x1F, v7  }
0x25: {  	v9 =	vor.u32 v3, v58;
	_ =	sdelay $0x2  }
0x26: {  	s1 =	simm.s32 $0x3;
	v7 =	vshll.u32 v7, $0x9  }
0x27: {  	[tilespmem:v6+s25+$0x0] =	vst.idx.msk $0xffff, v8;
	v6 =	vand.u32 $0x3E00, v7;
	v7 =	vadd.s32 s1, v0  }
0x28: {  	v8 =	vld.idx.msk [tilespmem:v9+s23+$0x0], $0xffff;
	v6 =	vor.u32 v6, v4;
	v59 =	vand.u32 $0x1F, v7  }
0x29: {  	v9 =	vor.u32 v3, v59;
	_ =	sdelay $0x2  }
0x2a: {  	s1 =	simm.s32 $0x4;
	v7 =	vshll.u32 v7, $0x9  }
0x2b: {  	[tilespmem:v6+s25+$0x0] =	vst.idx.msk $0xffff, v8;
	v6 =	vand.u32 $0x3E00, v7;
	v7 =	vadd.s32 s1, v0  }
0x2c: {  	v8 =	vld.idx.msk [tilespmem:v9+s23+$0x0], $0xffff;
	v6 =	vor.u32 v6, v4;
	v60 =	vand.u32 $0x1F, v7  }
0x2d: {  	v9 =	vor.u32 v3, v60;
	_ =	sdelay $0x2  }
0x2e: {  	s1 =	simm.s32 $0x5;
	v7 =	vshll.u32 v7, $0x9  }
0x2f: {  	[tilespmem:v6+s25+$0x0] =	vst.idx.msk $0xffff, v8;
	v6 =	vand.u32 $0x3E00, v7;
	v7 =	vadd.s32 s1, v0  }
0x30: {  	v8 =	vld.idx.msk [tilespmem:v9+s23+$0x0], $0xffff;
	v6 =	vor.u32 v6, v4;
	v61 =	vand.u32 $0x1F, v7  }
0x31: {  	v9 =	vor.u32 v3, v61;
	_ =	sdelay $0x2  }
0x32: {  	s1 =	simm.s32 $0x6;
	v7 =	vshll.u32 v7, $0x9  }
0x33: {  	[tilespmem:v6+s25+$0x0] =	vst.idx.msk $0xffff, v8;
	v6 =	vand.u32 $0x3E00, v7;
	v7 =	vadd.s32 s1, v0  }
0x34: {  	v8 =	vld.idx.msk [tilespmem:v9+s23+$0x0], $0xffff;
	v6 =	vor.u32 v6, v4;
	v62 =	vand.u32 $0x1F, v7  }
0x35: {  	v9 =	vor.u32 v3, v62;
	_ =	sdelay $0x2  }
0x36: {  	s1 =	simm.s32 $0x7;
	v7 =	vshll.u32 v7, $0x9  }
0x37: {  	v63 =	vadd.s32 s1, v0;
	[tilespmem:v6+s25+$0x0] =	vst.idx.msk $0xffff, v8;
	v6 =	vand.u32 $0x3E00, v7  }
0x38: {  	v7 =	vld.idx.msk [tilespmem:v9+s23+$0x0], $0xffff;
	v8 =	vor.u32 v6, v4;
	v6 =	vand.u32 $0x1F, v63  }
0x39: {  	v6 =	vor.u32 v3, v6;
	_ =	sdelay $0x3  }
0x3a: {  	s31 =	simm.s32 $0xF;
	s0 =	simm.s32 $0x17;
	s1 =	simm.s32 $0x8;
	[tilespmem:v8+s25+$0x0] =	vst.idx.msk $0xffff, v7;
	v7 =	vshll.u32 v63, $0x9  }
.LBB2_3:
0x3b: {  	p0 =	sne.s32 s0, $0x1F;
	v8 =	vadd.s32 s1, v0;
	v6 =	vld.idx.msk [tilespmem:v6+s23+$0x0], $0xffff;
	v7 =	vand.u32 $0x3E00, v7  }
0x3c: {  	v9 =	vand.u32 $0x18, v8;
	v7 =	vor.u32 v7, v4  }
0x3d: {  	v9 =	vor.u32 v9, v5;
	_ =	sdelay $0x3  }
0x3e: {  	s1 =	sadd.s32 $0xFFFFFFFA, s31;
	v8 =	vshll.u32 v8, $0x9;
	[tilespmem:v7+s25+$0x0] =	vst.idx.msk $0xffff, v6  }
0x3f: {  	v7 =	vand.u32 $0x3E00, v8;
	v8 =	vadd.s32 s1, v0;
	v6 =	vld.idx.msk [tilespmem:v9+s23+$0x0], $0xffff  }
0x40: {  	v7 =	vor.u32 v7, v4;
	v9 =	vand.u32 $0x1F, v8  }
0x41: {  	v9 =	vor.u32 v3, v9;
	_ =	sdelay $0x3  }
0x42: {  	s1 =	sadd.s32 $0xFFFFFFFB, s31;
	[tilespmem:v7+s25+$0x0] =	vst.idx.msk $0xffff, v6;
	v6 =	vshll.u32 v8, $0x9  }
0x43: {  	v8 =	vadd.s32 s1, v0;
	v7 =	vld.idx.msk [tilespmem:v9+s23+$0x0], $0xffff;
	v6 =	vand.u32 $0x3E00, v6  }
0x44: {  	v9 =	vand.u32 $0x1F, v8;
	v6 =	vor.u32 v6, v4  }
0x45: {  	v9 =	vor.u32 v3, v9;
	_ =	sdelay $0x3  }
0x46: {  	s1 =	sadd.s32 $0xFFFFFFFC, s31;
	[tilespmem:v6+s25+$0x0] =	vst.idx.msk $0xffff, v7;
	v6 =	vshll.u32 v8, $0x9  }
0x47: {  	v8 =	vadd.s32 s1, v0;
	v7 =	vld.idx.msk [tilespmem:v9+s23+$0x0], $0xffff;
	v6 =	vand.u32 $0x3E00, v6  }
0x48: {  	v9 =	vand.u32 $0x1F, v8;
	v6 =	vor.u32 v6, v4  }
0x49: {  	v9 =	vor.u32 v3, v9;
	_ =	sdelay $0x3  }
0x4a: {  	s1 =	sadd.s32 $0xFFFFFFFD, s31;
	[tilespmem:v6+s25+$0x0] =	vst.idx.msk $0xffff, v7;
	v6 =	vshll.u32 v8, $0x9  }
0x4b: {  	v8 =	vadd.s32 s1, v0;
	v7 =	vld.idx.msk [tilespmem:v9+s23+$0x0], $0xffff;
	v6 =	vand.u32 $0x3E00, v6  }
0x4c: {  	v9 =	vand.u32 $0x1F, v8;
	v6 =	vor.u32 v6, v4  }
0x4d: {  	v9 =	vor.u32 v3, v9;
	_ =	sdelay $0x3  }
0x4e: {  	s1 =	sadd.s32 $0xFFFFFFFE, s31;
	[tilespmem:v6+s25+$0x0] =	vst.idx.msk $0xffff, v7;
	v6 =	vshll.u32 v8, $0x9  }
0x4f: {  	v8 =	vadd.s32 s1, v0;
	v7 =	vld.idx.msk [tilespmem:v9+s23+$0x0], $0xffff;
	v6 =	vand.u32 $0x3E00, v6  }
0x50: {  	v9 =	vand.u32 $0x1F, v8;
	v6 =	vor.u32 v6, v4  }
0x51: {  	v9 =	vor.u32 v3, v9;
	_ =	sdelay $0x3  }
0x52: {  	s1 =	sadd.s32 $0xFFFFFFFF, s31;
	[tilespmem:v6+s25+$0x0] =	vst.idx.msk $0xffff, v7;
	v6 =	vshll.u32 v8, $0x9  }
0x53: {  	v8 =	vadd.s32 s1, v0;
	v7 =	vld.idx.msk [tilespmem:v9+s23+$0x0], $0xffff;
	v6 =	vand.u32 $0x3E00, v6  }
0x54: {  	v9 =	vand.u32 $0x1F, v8;
	v6 =	vor.u32 v6, v4  }
0x55: {  	v9 =	vor.u32 v3, v9;
	_ =	sdelay $0x3  }
0x56: {  	[tilespmem:v6+s25+$0x0] =	vst.idx.msk $0xffff, v7;
	v6 =	vshll.u32 v8, $0x9  }
0x57: {  	v8 =	vadd.s32 s31, v0;
	s31 =	smov.u32 s0;
	v7 =	vld.idx.msk [tilespmem:v9+s23+$0x0], $0xffff;
	v6 =	vand.u32 $0x3E00, v6  }
0x58: {  	v9 =	vor.u32 v6, v4;
	v6 =	vand.u32 $0x1F, v8  }
.Ltmp0:
0x59: {  	v6 =	vor.u32 v3, v6;
	(pc) =	sbr.rel @p0 .LBB2_3-.Ltmp0, $2  }
0x5a: {  	_ =	sdelay $0x2  }
0x5b: {  	s0 =	sadd.s32 $0x8, s0;
	s1 =	sadd.s32 $0xFFFFFFF9, s31;
	[tilespmem:v9+s25+$0x0] =	vst.idx.msk $0xffff, v7;
	v7 =	vshll.u32 v8, $0x9  }
0x5c: {  	_ =	sdelay $0x2  }
0x5d: {  	v8 =	vadd.s32 s1, v0;
	v7 =	vand.u32 $0x3E00, v7  }
0x5e: {  	v6 =	vld.idx.msk [tilespmem:v6+s23+$0x0], $0xffff;
	v9 =	vand.u32 $0x18, v8;
	v7 =	vor.u32 v7, v4  }
0x5f: {  	v5 =	vor.u32 v9, v5;
	_ =	sdelay $0x2  }
0x60: {  	s0 =	sadd.s32 $0xFFFFFFFA, s31;
	v8 =	vshll.u32 v8, $0x9  }
0x61: {  	v41 =	vadd.s32 s0, v0;
	v40 =	vand.u32 $0x3E00, v8;
	[tilespmem:v7+s25+$0x0] =	vst.idx.msk $0xffff, v6  }
0x62: {  	v42 =	vand.u32 $0x1F, v41;
	v6 =	vor.u32 v40, v4;
	v5 =	vld.idx.msk [tilespmem:v5+s23+$0x0], $0xffff  }
0x63: {  	v8 =	vor.u32 v3, v42;
	_ =	sdelay $0x2  }
0x64: {  	s1 =	sadd.s32 $0xFFFFFFFB, s31;
	v7 =	vshll.u32 v41, $0x9  }
0x65: {  	v44 =	vadd.s32 s1, v0;
	v43 =	vand.u32 $0x3E00, v7;
	[tilespmem:v6+s25+$0x0] =	vst.idx.msk $0xffff, v5  }
0x66: {  	v46 =	vand.u32 $0x1F, v44;
	v5 =	vor.u32 v43, v4;
	v45 =	vld.idx.msk [tilespmem:v8+s23+$0x0], $0xffff  }
0x67: {  	v8 =	vor.u32 v3, v46;
	_ =	sdelay $0x2  }
0x68: {  	s1 =	sadd.s32 $0xFFFFFFFC, s31;
	v6 =	vshll.u32 v44, $0x9  }
0x69: {  	v48 =	vadd.s32 s1, v0;
	v47 =	vand.u32 $0x3E00, v6;
	[tilespmem:v5+s25+$0x0] =	vst.idx.msk $0xffff, v45  }
0x6a: {  	v49 =	vand.u32 $0x1F, v48;
	v5 =	vor.u32 v47, v4;
	v7 =	vld.idx.msk [tilespmem:v8+s23+$0x0], $0xffff  }
0x6b: {  	v8 =	vor.u32 v3, v49;
	_ =	sdelay $0x2  }
0x6c: {  	s1 =	sadd.s32 $0xFFFFFFFD, s31;
	v6 =	vshll.u32 v48, $0x9  }
0x6d: {  	v51 =	vadd.s32 s1, v0;
	v50 =	vand.u32 $0x3E00, v6;
	[tilespmem:v5+s25+$0x0] =	vst.idx.msk $0xffff, v7  }
0x6e: {  	v52 =	vand.u32 $0x1F, v51;
	v5 =	vor.u32 v50, v4;
	v7 =	vld.idx.msk [tilespmem:v8+s23+$0x0], $0xffff  }
0x6f: {  	v8 =	vor.u32 v3, v52;
	_ =	sdelay $0x2  }
0x70: {  	s1 =	sadd.s32 $0xFFFFFFFE, s31;
	v6 =	vshll.u32 v51, $0x9  }
0x71: {  	v54 =	vadd.s32 s1, v0;
	v53 =	vand.u32 $0x3E00, v6;
	[tilespmem:v5+s25+$0x0] =	vst.idx.msk $0xffff, v7  }
0x72: {  	v55 =	vand.u32 $0x1F, v54;
	v5 =	vor.u32 v53, v4;
	v7 =	vld.idx.msk [tilespmem:v8+s23+$0x0], $0xffff  }
0x73: {  	v8 =	vor.u32 v3, v55;
	_ =	sdelay $0x2  }
0x74: {  	s1 =	sadd.s32 $0xFFFFFFFF, s31;
	v6 =	vshll.u32 v54, $0x9  }
0x75: {  	v57 =	vadd.s32 s1, v0;
	v56 =	vand.u32 $0x3E00, v6;
	[tilespmem:v5+s25+$0x0] =	vst.idx.msk $0xffff, v7  }
0x76: {  	v58 =	vand.u32 $0x1F, v57;
	v5 =	vor.u32 v56, v4;
	v7 =	vld.idx.msk [tilespmem:v8+s23+$0x0], $0xffff  }
0x77: {  	v8 =	vor.u32 v3, v58;
	_ =	sdelay $0x2  }
0x78: {  	v6 =	vshll.u32 v57, $0x9  }
0x79: {  	v60 =	vadd.s32 s31, v0;
	v59 =	vand.u32 $0x3E00, v6;
	[tilespmem:v5+s25+$0x0] =	vst.idx.msk $0xffff, v7  }
0x7a: {  	v61 =	vand.u32 $0x1F, v60;
	v5 =	vor.u32 v59, v4;
	v7 =	vld.idx.msk [tilespmem:v8+s23+$0x0], $0xffff  }
0x7b: {  	v3 =	vor.u32 v3, v61;
	_ =	sdelay $0x2  }
0x7c: {  	v6 =	vshll.u32 v60, $0x9  }
0x7d: {  	s30 =	sadd.s32 $0x1, s30;
	v62 =	vand.u32 $0x3E00, v6;
	[tilespmem:v5+s25+$0x0] =	vst.idx.msk $0xffff, v7  }
0x7e: {  	p0 =	sne.s32 s30, $0x20;
	v63 =	vor.u32 v62, v4;
	v3 =	vld.idx.msk [tilespmem:v3+s23+$0x0], $0xffff  }
.Ltmp1:
0x7f: {  	_ = 	snop;
	(pc) =	sbr.rel @p0 .LBB2_2-.Ltmp1, $2  }
0x80: {  	_ =	sdelay $0x2  }
0x81: {  	[tilespmem:v63+s25+$0x0] =	vst.idx.msk $0xffff, v3  }
0x82: {  	[hbm4b:s4+s2] =	stream.linear.scatter [tilespmem:s25], [sflag:$0x2], $0x80, $0x38;
	[tilespmem:$0x8200] =	vst v63  }
0x83: {  	s0 =	sadd.s32 $0x10, s4;
	s1 =	simm.s32 $0x4400  }
0x84: {  	[hbm4b:s0+s2] =	stream.linear.scatter [tilespmem:s1], [sflag:$0x2], $0x80, $0x38;
	[tilespmem:$0x8200] =	vst v63  }
0x85: {  	s30 =	sadd.s32 $0x20, s4;
	s31 =	simm.s32 $0x4600  }
0x86: {  	[hbm4b:s30+s2] =	stream.linear.scatter [tilespmem:s31], [sflag:$0x2], $0x80, $0x38;
	[tilespmem:$0x8200] =	vst v63  }
0x87: {  	s30 =	sadd.s32 $0x30, s4;
	s31 =	simm.s32 $0x4800  }
0x88: {  	[hbm4b:s30+s2] =	stream.linear.scatter [tilespmem:s31], [sflag:$0x2], $0x80, $0x38;
	[tilespmem:$0x8200] =	vst v63  }
0x89: {  	s30 =	sadd.s32 $0x40, s4;
	s31 =	simm.s32 $0x4A00  }
0x8a: {  	[hbm4b:s30+s2] =	stream.linear.scatter [tilespmem:s31], [sflag:$0x2], $0x80, $0x38;
	[tilespmem:$0x8200] =	vst v63  }
0x8b: {  	s30 =	sadd.s32 $0x50, s4;
	s31 =	simm.s32 $0x4C00  }
0x8c: {  	[hbm4b:s30+s2] =	stream.linear.scatter [tilespmem:s31], [sflag:$0x2], $0x80, $0x38;
	[tilespmem:$0x8200] =	vst v63  }
0x8d: {  	s30 =	sadd.s32 $0x60, s4;
	s31 =	simm.s32 $0x4E00  }
0x8e: {  	[hbm4b:s30+s2] =	stream.linear.scatter [tilespmem:s31], [sflag:$0x2], $0x80, $0x38;
	[tilespmem:$0x8200] =	vst v63  }
0x8f: {  	s30 =	sadd.s32 $0x70, s4;
	s31 =	simm.s32 $0x5000  }
0x90: {  	[hbm4b:s30+s2] =	stream.linear.scatter [tilespmem:s31], [sflag:$0x2], $0x80, $0x38;
	[tilespmem:$0x8200] =	vst v63  }
0x91: {  	s1 =	simm.s32 $0x4280  }
0x92: {  	[hbm4b:s6+s2] =	stream.linear.scatter [tilespmem:s1], [sflag:$0x2], $0x80, $0x38;
	[tilespmem:$0x8200] =	vst v63  }
0x93: {  	s30 =	sadd.s32 $0x10, s6;
	s31 =	simm.s32 $0x4480  }
0x94: {  	[hbm4b:s30+s2] =	stream.linear.scatter [tilespmem:s31], [sflag:$0x2], $0x80, $0x38;
	[tilespmem:$0x8200] =	vst v63  }
0x95: {  	s30 =	sadd.s32 $0x20, s6;
	s31 =	simm.s32 $0x4680  }
0x96: {  	[hbm4b:s30+s2] =	stream.linear.scatter [tilespmem:s31], [sflag:$0x2], $0x80, $0x38;
	[tilespmem:$0x8200] =	vst v63  }
0x97: {  	s30 =	sadd.s32 $0x30, s6;
	s31 =	simm.s32 $0x4880  }
0x98: {  	[hbm4b:s30+s2] =	stream.linear.scatter [tilespmem:s31], [sflag:$0x2], $0x80, $0x38;
	[tilespmem:$0x8200] =	vst v63  }
0x99: {  	s30 =	sadd.s32 $0x40, s6;
	s31 =	simm.s32 $0x4A80  }
0x9a: {  	[hbm4b:s30+s2] =	stream.linear.scatter [tilespmem:s31], [sflag:$0x2], $0x80, $0x38;
	[tilespmem:$0x8200] =	vst v63  }
0x9b: {  	s30 =	sadd.s32 $0x50, s6;
	s31 =	simm.s32 $0x4C80  }
0x9c: {  	[hbm4b:s30+s2] =	stream.linear.scatter [tilespmem:s31], [sflag:$0x2], $0x80, $0x38;
	[tilespmem:$0x8200] =	vst v63  }
0x9d: {  	s30 =	sadd.s32 $0x60, s6;
	s31 =	simm.s32 $0x4E80  }
0x9e: {  	[hbm4b:s30+s2] =	stream.linear.scatter [tilespmem:s31], [sflag:$0x2], $0x80, $0x38;
	[tilespmem:$0x8200] =	vst v63  }
0x9f: {  	s30 =	sadd.s32 $0x70, s6;
	s31 =	simm.s32 $0x5080  }
0xa0: {  	[hbm4b:s30+s2] =	stream.linear.scatter [tilespmem:s31], [sflag:$0x2], $0x80, $0x38;
	[tilespmem:$0x8200] =	vst v63  }
0xa1: {  	s1 =	simm.s32 $0x4300  }
0xa2: {  	[hbm4b:s7+s2] =	stream.linear.scatter [tilespmem:s1], [sflag:$0x2], $0x80, $0x38;
	[tilespmem:$0x8200] =	vst v63  }
0xa3: {  	s30 =	sadd.s32 $0x10, s7;
	s31 =	simm.s32 $0x4500  }
0xa4: {  	[hbm4b:s30+s2] =	stream.linear.scatter [tilespmem:s31], [sflag:$0x2], $0x80, $0x38;
	[tilespmem:$0x8200] =	vst v63  }
0xa5: {  	s30 =	sadd.s32 $0x20, s7;
	s31 =	simm.s32 $0x4700  }
0xa6: {  	[hbm4b:s30+s2] =	stream.linear.scatter [tilespmem:s31], [sflag:$0x2], $0x80, $0x38;
	[tilespmem:$0x8200] =	vst v63  }
0xa7: {  	s30 =	sadd.s32 $0x30, s7;
	s31 =	simm.s32 $0x4900  }
0xa8: {  	[hbm4b:s30+s2] =	stream.linear.scatter [tilespmem:s31], [sflag:$0x2], $0x80, $0x38;
	[tilespmem:$0x8200] =	vst v63  }
0xa9: {  	s30 =	sadd.s32 $0x40, s7;
	s31 =	simm.s32 $0x4B00  }
0xaa: {  	[hbm4b:s30+s2] =	stream.linear.scatter [tilespmem:s31], [sflag:$0x2], $0x80, $0x38;
	[tilespmem:$0x8200] =	vst v63  }
0xab: {  	s30 =	sadd.s32 $0x50, s7;
	s31 =	simm.s32 $0x4D00  }
0xac: {  	[hbm4b:s30+s2] =	stream.linear.scatter [tilespmem:s31], [sflag:$0x2], $0x80, $0x38;
	[tilespmem:$0x8200] =	vst v63  }
0xad: {  	s30 =	sadd.s32 $0x60, s7;
	s31 =	simm.s32 $0x4F00  }
0xae: {  	[hbm4b:s30+s2] =	stream.linear.scatter [tilespmem:s31], [sflag:$0x2], $0x80, $0x38;
	[tilespmem:$0x8200] =	vst v63  }
0xaf: {  	s30 =	sadd.s32 $0x70, s7;
	s31 =	simm.s32 $0x5100  }
0xb0: {  	[hbm4b:s30+s2] =	stream.linear.scatter [tilespmem:s31], [sflag:$0x2], $0x80, $0x38;
	[tilespmem:$0x8200] =	vst v63  }
0xb1: {  	s1 =	simm.s32 $0x4380  }
0xb2: {  	[hbm4b:s8+s2] =	stream.linear.scatter [tilespmem:s1], [sflag:$0x2], $0x80, $0x38;
	[tilespmem:$0x8200] =	vst v63  }
0xb3: {  	s30 =	sadd.s32 $0x10, s8;
	s31 =	simm.s32 $0x4580  }
0xb4: {  	[hbm4b:s30+s2] =	stream.linear.scatter [tilespmem:s31], [sflag:$0x2], $0x80, $0x38;
	[tilespmem:$0x8200] =	vst v63  }
0xb5: {  	s30 =	sadd.s32 $0x20, s8;
	s31 =	simm.s32 $0x4780  }
0xb6: {  	[hbm4b:s30+s2] =	stream.linear.scatter [tilespmem:s31], [sflag:$0x2], $0x80, $0x38;
	[tilespmem:$0x8200] =	vst v63  }
0xb7: {  	s30 =	sadd.s32 $0x30, s8;
	s31 =	simm.s32 $0x4980  }
0xb8: {  	[hbm4b:s30+s2] =	stream.linear.scatter [tilespmem:s31], [sflag:$0x2], $0x80, $0x38;
	[tilespmem:$0x8200] =	vst v63  }
0xb9: {  	s30 =	sadd.s32 $0x40, s8;
	s31 =	simm.s32 $0x4B80  }
0xba: {  	[hbm4b:s30+s2] =	stream.linear.scatter [tilespmem:s31], [sflag:$0x2], $0x80, $0x38;
	[tilespmem:$0x8200] =	vst v63  }
0xbb: {  	s30 =	sadd.s32 $0x50, s8;
	s31 =	simm.s32 $0x4D80  }
0xbc: {  	[hbm4b:s30+s2] =	stream.linear.scatter [tilespmem:s31], [sflag:$0x2], $0x80, $0x38;
	[tilespmem:$0x8200] =	vst v63  }
0xbd: {  	s30 =	sadd.s32 $0x60, s8;
	s31 =	simm.s32 $0x4F80  }
0xbe: {  	[hbm4b:s30+s2] =	stream.linear.scatter [tilespmem:s31], [sflag:$0x2], $0x80, $0x38;
	[tilespmem:$0x8200] =	vst v63  }
0xbf: {  	s30 =	sadd.s32 $0x70, s8;
	s31 =	simm.s32 $0x5180  }
0xc0: {  	[hbm4b:s30+s2] =	stream.linear.scatter [tilespmem:s31], [sflag:$0x2], $0x80, $0x38;
	[tilespmem:$0x8200] =	vst v63  }
0xc1: {  	s1 =	simm.s32 $0x5200  }
0xc2: {  	[hbm4b:s9+s2] =	stream.linear.scatter [tilespmem:s1], [sflag:$0x2], $0x80, $0x38;
	[tilespmem:$0x8200] =	vst v63  }
0xc3: {  	s30 =	sadd.s32 $0x10, s9;
	s31 =	simm.s32 $0x5400  }
0xc4: {  	[hbm4b:s30+s2] =	stream.linear.scatter [tilespmem:s31], [sflag:$0x2], $0x80, $0x38;
	[tilespmem:$0x8200] =	vst v63  }
0xc5: {  	s30 =	sadd.s32 $0x20, s9;
	s31 =	simm.s32 $0x5600  }
0xc6: {  	[hbm4b:s30+s2] =	stream.linear.scatter [tilespmem:s31], [sflag:$0x2], $0x80, $0x38;
	[tilespmem:$0x8200] =	vst v63  }
0xc7: {  	s30 =	sadd.s32 $0x30, s9;
	s31 =	simm.s32 $0x5800  }
0xc8: {  	[hbm4b:s30+s2] =	stream.linear.scatter [tilespmem:s31], [sflag:$0x2], $0x80, $0x38;
	[tilespmem:$0x8200] =	vst v63  }
0xc9: {  	s30 =	sadd.s32 $0x40, s9;
	s31 =	simm.s32 $0x5A00  }
0xca: {  	[hbm4b:s30+s2] =	stream.linear.scatter [tilespmem:s31], [sflag:$0x2], $0x80, $0x38;
	[tilespmem:$0x8200] =	vst v63  }
0xcb: {  	s30 =	sadd.s32 $0x50, s9;
	s31 =	simm.s32 $0x5C00  }
0xcc: {  	[hbm4b:s30+s2] =	stream.linear.scatter [tilespmem:s31], [sflag:$0x2], $0x80, $0x38;
	[tilespmem:$0x8200] =	vst v63  }
0xcd: {  	s30 =	sadd.s32 $0x60, s9;
	s31 =	simm.s32 $0x5E00  }
0xce: {  	[hbm4b:s30+s2] =	stream.linear.scatter [tilespmem:s31], [sflag:$0x2], $0x80, $0x38;
	[tilespmem:$0x8200] =	vst v63  }
0xcf: {  	s30 =	sadd.s32 $0x70, s9;
	s31 =	simm.s32 $0x6000  }
0xd0: {  	[hbm4b:s30+s2] =	stream.linear.scatter [tilespmem:s31], [sflag:$0x2], $0x80, $0x38;
	[tilespmem:$0x8200] =	vst v63  }
0xd1: {  	s1 =	simm.s32 $0x5280  }
0xd2: {  	[hbm4b:s10+s2] =	stream.linear.scatter [tilespmem:s1], [sflag:$0x2], $0x80, $0x38;
	[tilespmem:$0x8200] =	vst v63  }
0xd3: {  	s30 =	sadd.s32 $0x10, s10;
	s31 =	simm.s32 $0x5480  }
0xd4: {  	[hbm4b:s30+s2] =	stream.linear.scatter [tilespmem:s31], [sflag:$0x2], $0x80, $0x38;
	[tilespmem:$0x8200] =	vst v63  }
0xd5: {  	s30 =	sadd.s32 $0x20, s10;
	s31 =	simm.s32 $0x5680  }
0xd6: {  	[hbm4b:s30+s2] =	stream.linear.scatter [tilespmem:s31], [sflag:$0x2], $0x80, $0x38;
	[tilespmem:$0x8200] =	vst v63  }
0xd7: {  	s30 =	sadd.s32 $0x30, s10;
	s31 =	simm.s32 $0x5880  }
0xd8: {  	[hbm4b:s30+s2] =	stream.linear.scatter [tilespmem:s31], [sflag:$0x2], $0x80, $0x38;
	[tilespmem:$0x8200] =	vst v63  }
0xd9: {  	s30 =	sadd.s32 $0x40, s10;
	s31 =	simm.s32 $0x5A80  }
0xda: {  	[hbm4b:s30+s2] =	stream.linear.scatter [tilespmem:s31], [sflag:$0x2], $0x80, $0x38;
	[tilespmem:$0x8200] =	vst v63  }
0xdb: {  	s30 =	sadd.s32 $0x50, s10;
	s31 =	simm.s32 $0x5C80  }
0xdc: {  	[hbm4b:s30+s2] =	stream.linear.scatter [tilespmem:s31], [sflag:$0x2], $0x80, $0x38;
	[tilespmem:$0x8200] =	vst v63  }
0xdd: {  	s30 =	sadd.s32 $0x60, s10;
	s31 =	simm.s32 $0x5E80  }
0xde: {  	[hbm4b:s30+s2] =	stream.linear.scatter [tilespmem:s31], [sflag:$0x2], $0x80, $0x38;
	[tilespmem:$0x8200] =	vst v63  }
0xdf: {  	s30 =	sadd.s32 $0x70, s10;
	s31 =	simm.s32 $0x6080  }
0xe0: {  	[hbm4b:s30+s2] =	stream.linear.scatter [tilespmem:s31], [sflag:$0x2], $0x80, $0x38;
	[tilespmem:$0x8200] =	vst v63  }
0xe1: {  	s1 =	simm.s32 $0x5300  }
0xe2: {  	[hbm4b:s11+s2] =	stream.linear.scatter [tilespmem:s1], [sflag:$0x2], $0x80, $0x38;
	[tilespmem:$0x8200] =	vst v63  }
0xe3: {  	s30 =	sadd.s32 $0x10, s11;
	s31 =	simm.s32 $0x5500  }
0xe4: {  	[hbm4b:s30+s2] =	stream.linear.scatter [tilespmem:s31], [sflag:$0x2], $0x80, $0x38;
	[tilespmem:$0x8200] =	vst v63  }
0xe5: {  	s30 =	sadd.s32 $0x20, s11;
	s31 =	simm.s32 $0x5700  }
0xe6: {  	[hbm4b:s30+s2] =	stream.linear.scatter [tilespmem:s31], [sflag:$0x2], $0x80, $0x38;
	[tilespmem:$0x8200] =	vst v63  }
0xe7: {  	s30 =	sadd.s32 $0x30, s11;
	s31 =	simm.s32 $0x5900  }
0xe8: {  	[hbm4b:s30+s2] =	stream.linear.scatter [tilespmem:s31], [sflag:$0x2], $0x80, $0x38;
	[tilespmem:$0x8200] =	vst v63  }
0xe9: {  	s30 =	sadd.s32 $0x40, s11;
	s31 =	simm.s32 $0x5B00  }
0xea: {  	[hbm4b:s30+s2] =	stream.linear.scatter [tilespmem:s31], [sflag:$0x2], $0x80, $0x38;
	[tilespmem:$0x8200] =	vst v63  }
0xeb: {  	s30 =	sadd.s32 $0x50, s11;
	s31 =	simm.s32 $0x5D00  }
0xec: {  	[hbm4b:s30+s2] =	stream.linear.scatter [tilespmem:s31], [sflag:$0x2], $0x80, $0x38;
	[tilespmem:$0x8200] =	vst v63  }
0xed: {  	s30 =	sadd.s32 $0x60, s11;
	s31 =	simm.s32 $0x5F00  }
0xee: {  	[hbm4b:s30+s2] =	stream.linear.scatter [tilespmem:s31], [sflag:$0x2], $0x80, $0x38;
	[tilespmem:$0x8200] =	vst v63  }
0xef: {  	s30 =	sadd.s32 $0x70, s11;
	s31 =	simm.s32 $0x6100  }
0xf0: {  	[hbm4b:s30+s2] =	stream.linear.scatter [tilespmem:s31], [sflag:$0x2], $0x80, $0x38;
	[tilespmem:$0x8200] =	vst v63  }
0xf1: {  	s1 =	simm.s32 $0x5380  }
0xf2: {  	[hbm4b:s12+s2] =	stream.linear.scatter [tilespmem:s1], [sflag:$0x2], $0x80, $0x38;
	[tilespmem:$0x8200] =	vst v63  }
0xf3: {  	s30 =	sadd.s32 $0x10, s12;
	s31 =	simm.s32 $0x5580  }
0xf4: {  	[hbm4b:s30+s2] =	stream.linear.scatter [tilespmem:s31], [sflag:$0x2], $0x80, $0x38;
	[tilespmem:$0x8200] =	vst v63  }
0xf5: {  	s30 =	sadd.s32 $0x20, s12;
	s31 =	simm.s32 $0x5780  }
0xf6: {  	[hbm4b:s30+s2] =	stream.linear.scatter [tilespmem:s31], [sflag:$0x2], $0x80, $0x38;
	[tilespmem:$0x8200] =	vst v63  }
0xf7: {  	s30 =	sadd.s32 $0x30, s12;
	s31 =	simm.s32 $0x5980  }
0xf8: {  	[hbm4b:s30+s2] =	stream.linear.scatter [tilespmem:s31], [sflag:$0x2], $0x80, $0x38;
	[tilespmem:$0x8200] =	vst v63  }
0xf9: {  	s30 =	sadd.s32 $0x40, s12;
	s31 =	simm.s32 $0x5B80  }
0xfa: {  	[hbm4b:s30+s2] =	stream.linear.scatter [tilespmem:s31], [sflag:$0x2], $0x80, $0x38;
	[tilespmem:$0x8200] =	vst v63  }
0xfb: {  	s30 =	sadd.s32 $0x50, s12;
	s31 =	simm.s32 $0x5D80  }
0xfc: {  	[hbm4b:s30+s2] =	stream.linear.scatter [tilespmem:s31], [sflag:$0x2], $0x80, $0x38;
	[tilespmem:$0x8200] =	vst v63  }
0xfd: {  	s30 =	sadd.s32 $0x60, s12;
	s31 =	simm.s32 $0x5F80  }
0xfe: {  	[hbm4b:s30+s2] =	stream.linear.scatter [tilespmem:s31], [sflag:$0x2], $0x80, $0x38;
	[tilespmem:$0x8200] =	vst v63  }
0xff: {  	s30 =	sadd.s32 $0x70, s12;
	s31 =	simm.s32 $0x6180  }
0x100: {  	[hbm4b:s30+s2] =	stream.linear.scatter [tilespmem:s31], [sflag:$0x2], $0x80, $0x38;
	[tilespmem:$0x8200] =	vst v63  }
0x101: {  	s1 =	simm.s32 $0x6200  }
0x102: {  	[hbm4b:s13+s2] =	stream.linear.scatter [tilespmem:s1], [sflag:$0x2], $0x80, $0x38;
	[tilespmem:$0x8200] =	vst v63  }
0x103: {  	s30 =	sadd.s32 $0x10, s13;
	s31 =	simm.s32 $0x6400  }
0x104: {  	[hbm4b:s30+s2] =	stream.linear.scatter [tilespmem:s31], [sflag:$0x2], $0x80, $0x38;
	[tilespmem:$0x8200] =	vst v63  }
0x105: {  	s30 =	sadd.s32 $0x20, s13;
	s31 =	simm.s32 $0x6600  }
0x106: {  	[hbm4b:s30+s2] =	stream.linear.scatter [tilespmem:s31], [sflag:$0x2], $0x80, $0x38;
	[tilespmem:$0x8200] =	vst v63  }
0x107: {  	s30 =	sadd.s32 $0x30, s13;
	s31 =	simm.s32 $0x6800  }
0x108: {  	[hbm4b:s30+s2] =	stream.linear.scatter [tilespmem:s31], [sflag:$0x2], $0x80, $0x38;
	[tilespmem:$0x8200] =	vst v63  }
0x109: {  	s30 =	sadd.s32 $0x40, s13;
	s31 =	simm.s32 $0x6A00  }
0x10a: {  	[hbm4b:s30+s2] =	stream.linear.scatter [tilespmem:s31], [sflag:$0x2], $0x80, $0x38;
	[tilespmem:$0x8200] =	vst v63  }
0x10b: {  	s30 =	sadd.s32 $0x50, s13;
	s31 =	simm.s32 $0x6C00  }
0x10c: {  	[hbm4b:s30+s2] =	stream.linear.scatter [tilespmem:s31], [sflag:$0x2], $0x80, $0x38;
	[tilespmem:$0x8200] =	vst v63  }
0x10d: {  	s30 =	sadd.s32 $0x60, s13;
	s31 =	simm.s32 $0x6E00  }
0x10e: {  	[hbm4b:s30+s2] =	stream.linear.scatter [tilespmem:s31], [sflag:$0x2], $0x80, $0x38;
	[tilespmem:$0x8200] =	vst v63  }
0x10f: {  	s30 =	sadd.s32 $0x70, s13;
	s31 =	simm.s32 $0x7000  }
0x110: {  	[hbm4b:s30+s2] =	stream.linear.scatter [tilespmem:s31], [sflag:$0x2], $0x80, $0x38;
	[tilespmem:$0x8200] =	vst v63  }
0x111: {  	s1 =	simm.s32 $0x6280  }
0x112: {  	[hbm4b:s14+s2] =	stream.linear.scatter [tilespmem:s1], [sflag:$0x2], $0x80, $0x38;
	[tilespmem:$0x8200] =	vst v63  }
0x113: {  	s30 =	sadd.s32 $0x10, s14;
	s31 =	simm.s32 $0x6480  }
0x114: {  	[hbm4b:s30+s2] =	stream.linear.scatter [tilespmem:s31], [sflag:$0x2], $0x80, $0x38;
	[tilespmem:$0x8200] =	vst v63  }
0x115: {  	s30 =	sadd.s32 $0x20, s14;
	s31 =	simm.s32 $0x6680  }
0x116: {  	[hbm4b:s30+s2] =	stream.linear.scatter [tilespmem:s31], [sflag:$0x2], $0x80, $0x38;
	[tilespmem:$0x8200] =	vst v63  }
0x117: {  	s30 =	sadd.s32 $0x30, s14;
	s31 =	simm.s32 $0x6880  }
0x118: {  	[hbm4b:s30+s2] =	stream.linear.scatter [tilespmem:s31], [sflag:$0x2], $0x80, $0x38;
	[tilespmem:$0x8200] =	vst v63  }
0x119: {  	s30 =	sadd.s32 $0x40, s14;
	s31 =	simm.s32 $0x6A80  }
0x11a: {  	[hbm4b:s30+s2] =	stream.linear.scatter [tilespmem:s31], [sflag:$0x2], $0x80, $0x38;
	[tilespmem:$0x8200] =	vst v63  }
0x11b: {  	s30 =	sadd.s32 $0x50, s14;
	s31 =	simm.s32 $0x6C80  }
0x11c: {  	[hbm4b:s30+s2] =	stream.linear.scatter [tilespmem:s31], [sflag:$0x2], $0x80, $0x38;
	[tilespmem:$0x8200] =	vst v63  }
0x11d: {  	s30 =	sadd.s32 $0x60, s14;
	s31 =	simm.s32 $0x6E80  }
0x11e: {  	[hbm4b:s30+s2] =	stream.linear.scatter [tilespmem:s31], [sflag:$0x2], $0x80, $0x38;
	[tilespmem:$0x8200] =	vst v63  }
0x11f: {  	s30 =	sadd.s32 $0x70, s14;
	s31 =	simm.s32 $0x7080  }
0x120: {  	[hbm4b:s30+s2] =	stream.linear.scatter [tilespmem:s31], [sflag:$0x2], $0x80, $0x38;
	[tilespmem:$0x8200] =	vst v63  }
0x121: {  	s1 =	simm.s32 $0x6300  }
0x122: {  	[hbm4b:s15+s2] =	stream.linear.scatter [tilespmem:s1], [sflag:$0x2], $0x80, $0x38;
	[tilespmem:$0x8200] =	vst v63  }
0x123: {  	s30 =	sadd.s32 $0x10, s15;
	s31 =	simm.s32 $0x6500  }
0x124: {  	[hbm4b:s30+s2] =	stream.linear.scatter [tilespmem:s31], [sflag:$0x2], $0x80, $0x38;
	[tilespmem:$0x8200] =	vst v63  }
0x125: {  	s30 =	sadd.s32 $0x20, s15;
	s31 =	simm.s32 $0x6700  }
0x126: {  	[hbm4b:s30+s2] =	stream.linear.scatter [tilespmem:s31], [sflag:$0x2], $0x80, $0x38;
	[tilespmem:$0x8200] =	vst v63  }
0x127: {  	s30 =	sadd.s32 $0x30, s15;
	s31 =	simm.s32 $0x6900  }
0x128: {  	[hbm4b:s30+s2] =	stream.linear.scatter [tilespmem:s31], [sflag:$0x2], $0x80, $0x38;
	[tilespmem:$0x8200] =	vst v63  }
0x129: {  	s30 =	sadd.s32 $0x40, s15;
	s31 =	simm.s32 $0x6B00  }
0x12a: {  	[hbm4b:s30+s2] =	stream.linear.scatter [tilespmem:s31], [sflag:$0x2], $0x80, $0x38;
	[tilespmem:$0x8200] =	vst v63  }
0x12b: {  	s30 =	sadd.s32 $0x50, s15;
	s31 =	simm.s32 $0x6D00  }
0x12c: {  	[hbm4b:s30+s2] =	stream.linear.scatter [tilespmem:s31], [sflag:$0x2], $0x80, $0x38;
	[tilespmem:$0x8200] =	vst v63  }
0x12d: {  	s30 =	sadd.s32 $0x60, s15;
	s31 =	simm.s32 $0x6F00  }
0x12e: {  	[hbm4b:s30+s2] =	stream.linear.scatter [tilespmem:s31], [sflag:$0x2], $0x80, $0x38;
	[tilespmem:$0x8200] =	vst v63  }
0x12f: {  	s30 =	sadd.s32 $0x70, s15;
	s31 =	simm.s32 $0x7100  }
0x130: {  	[hbm4b:s30+s2] =	stream.linear.scatter [tilespmem:s31], [sflag:$0x2], $0x80, $0x38;
	[tilespmem:$0x8200] =	vst v63  }
0x131: {  	s1 =	simm.s32 $0x6380  }
0x132: {  	[hbm4b:s16+s2] =	stream.linear.scatter [tilespmem:s1], [sflag:$0x2], $0x80, $0x38;
	[tilespmem:$0x8200] =	vst v63  }
0x133: {  	s30 =	sadd.s32 $0x10, s16;
	s31 =	simm.s32 $0x6580  }
0x134: {  	[hbm4b:s30+s2] =	stream.linear.scatter [tilespmem:s31], [sflag:$0x2], $0x80, $0x38;
	[tilespmem:$0x8200] =	vst v63  }
0x135: {  	s30 =	sadd.s32 $0x20, s16;
	s31 =	simm.s32 $0x6780  }
0x136: {  	[hbm4b:s30+s2] =	stream.linear.scatter [tilespmem:s31], [sflag:$0x2], $0x80, $0x38;
	[tilespmem:$0x8200] =	vst v63  }
0x137: {  	s30 =	sadd.s32 $0x30, s16;
	s31 =	simm.s32 $0x6980  }
0x138: {  	[hbm4b:s30+s2] =	stream.linear.scatter [tilespmem:s31], [sflag:$0x2], $0x80, $0x38;
	[tilespmem:$0x8200] =	vst v63  }
0x139: {  	s30 =	sadd.s32 $0x40, s16;
	s31 =	simm.s32 $0x6B80  }
0x13a: {  	[hbm4b:s30+s2] =	stream.linear.scatter [tilespmem:s31], [sflag:$0x2], $0x80, $0x38;
	[tilespmem:$0x8200] =	vst v63  }
0x13b: {  	s30 =	sadd.s32 $0x50, s16;
	s31 =	simm.s32 $0x6D80  }
0x13c: {  	[hbm4b:s30+s2] =	stream.linear.scatter [tilespmem:s31], [sflag:$0x2], $0x80, $0x38;
	[tilespmem:$0x8200] =	vst v63  }
0x13d: {  	s30 =	sadd.s32 $0x60, s16;
	s31 =	simm.s32 $0x6F80  }
0x13e: {  	[hbm4b:s30+s2] =	stream.linear.scatter [tilespmem:s31], [sflag:$0x2], $0x80, $0x38;
	[tilespmem:$0x8200] =	vst v63  }
0x13f: {  	s30 =	sadd.s32 $0x70, s16;
	s31 =	simm.s32 $0x7180  }
0x140: {  	[hbm4b:s30+s2] =	stream.linear.scatter [tilespmem:s31], [sflag:$0x2], $0x80, $0x38;
	[tilespmem:$0x8200] =	vst v63  }
0x141: {  	s1 =	simm.s32 $0x7200  }
0x142: {  	[hbm4b:s17+s2] =	stream.linear.scatter [tilespmem:s1], [sflag:$0x2], $0x80, $0x38;
	[tilespmem:$0x8200] =	vst v63  }
0x143: {  	s30 =	sadd.s32 $0x10, s17;
	s31 =	simm.s32 $0x7400  }
0x144: {  	[hbm4b:s30+s2] =	stream.linear.scatter [tilespmem:s31], [sflag:$0x2], $0x80, $0x38;
	[tilespmem:$0x8200] =	vst v63  }
0x145: {  	s30 =	sadd.s32 $0x20, s17;
	s31 =	simm.s32 $0x7600  }
0x146: {  	[hbm4b:s30+s2] =	stream.linear.scatter [tilespmem:s31], [sflag:$0x2], $0x80, $0x38;
	[tilespmem:$0x8200] =	vst v63  }
0x147: {  	s30 =	sadd.s32 $0x30, s17;
	s31 =	simm.s32 $0x7800  }
0x148: {  	[hbm4b:s30+s2] =	stream.linear.scatter [tilespmem:s31], [sflag:$0x2], $0x80, $0x38;
	[tilespmem:$0x8200] =	vst v63  }
0x149: {  	s30 =	sadd.s32 $0x40, s17;
	s31 =	simm.s32 $0x7A00  }
0x14a: {  	[hbm4b:s30+s2] =	stream.linear.scatter [tilespmem:s31], [sflag:$0x2], $0x80, $0x38;
	[tilespmem:$0x8200] =	vst v63  }
0x14b: {  	s30 =	sadd.s32 $0x50, s17;
	s31 =	simm.s32 $0x7C00  }
0x14c: {  	[hbm4b:s30+s2] =	stream.linear.scatter [tilespmem:s31], [sflag:$0x2], $0x80, $0x38;
	[tilespmem:$0x8200] =	vst v63  }
0x14d: {  	s30 =	sadd.s32 $0x60, s17;
	s31 =	simm.s32 $0x7E00  }
0x14e: {  	[hbm4b:s30+s2] =	stream.linear.scatter [tilespmem:s31], [sflag:$0x2], $0x80, $0x38;
	[tilespmem:$0x8200] =	vst v63  }
0x14f: {  	s30 =	sadd.s32 $0x70, s17;
	s31 =	simm.s32 $0x8000  }
0x150: {  	[hbm4b:s30+s2] =	stream.linear.scatter [tilespmem:s31], [sflag:$0x2], $0x80, $0x38;
	[tilespmem:$0x8200] =	vst v63  }
0x151: {  	s1 =	simm.s32 $0x7280  }
0x152: {  	[hbm4b:s18+s2] =	stream.linear.scatter [tilespmem:s1], [sflag:$0x2], $0x80, $0x38;
	[tilespmem:$0x8200] =	vst v63  }
0x153: {  	s30 =	sadd.s32 $0x10, s18;
	s31 =	simm.s32 $0x7480  }
0x154: {  	[hbm4b:s30+s2] =	stream.linear.scatter [tilespmem:s31], [sflag:$0x2], $0x80, $0x38;
	[tilespmem:$0x8200] =	vst v63  }
0x155: {  	s30 =	sadd.s32 $0x20, s18;
	s31 =	simm.s32 $0x7680  }
0x156: {  	[hbm4b:s30+s2] =	stream.linear.scatter [tilespmem:s31], [sflag:$0x2], $0x80, $0x38;
	[tilespmem:$0x8200] =	vst v63  }
0x157: {  	s30 =	sadd.s32 $0x30, s18;
	s31 =	simm.s32 $0x7880  }
0x158: {  	[hbm4b:s30+s2] =	stream.linear.scatter [tilespmem:s31], [sflag:$0x2], $0x80, $0x38;
	[tilespmem:$0x8200] =	vst v63  }
0x159: {  	s30 =	sadd.s32 $0x40, s18;
	s31 =	simm.s32 $0x7A80  }
0x15a: {  	[hbm4b:s30+s2] =	stream.linear.scatter [tilespmem:s31], [sflag:$0x2], $0x80, $0x38;
	[tilespmem:$0x8200] =	vst v63  }
0x15b: {  	s30 =	sadd.s32 $0x50, s18;
	s31 =	simm.s32 $0x7C80  }
0x15c: {  	[hbm4b:s30+s2] =	stream.linear.scatter [tilespmem:s31], [sflag:$0x2], $0x80, $0x38;
	[tilespmem:$0x8200] =	vst v63  }
0x15d: {  	s30 =	sadd.s32 $0x60, s18;
	s31 =	simm.s32 $0x7E80  }
0x15e: {  	[hbm4b:s30+s2] =	stream.linear.scatter [tilespmem:s31], [sflag:$0x2], $0x80, $0x38;
	[tilespmem:$0x8200] =	vst v63  }
0x15f: {  	s30 =	sadd.s32 $0x70, s18;
	s31 =	simm.s32 $0x8080  }
0x160: {  	[hbm4b:s30+s2] =	stream.linear.scatter [tilespmem:s31], [sflag:$0x2], $0x80, $0x38;
	[tilespmem:$0x8200] =	vst v63  }
0x161: {  	s1 =	simm.s32 $0x7300  }
0x162: {  	[hbm4b:s19+s2] =	stream.linear.scatter [tilespmem:s1], [sflag:$0x2], $0x80, $0x38;
	[tilespmem:$0x8200] =	vst v63  }
0x163: {  	s30 =	sadd.s32 $0x10, s19;
	s31 =	simm.s32 $0x7500  }
0x164: {  	[hbm4b:s30+s2] =	stream.linear.scatter [tilespmem:s31], [sflag:$0x2], $0x80, $0x38;
	[tilespmem:$0x8200] =	vst v63  }
0x165: {  	s30 =	sadd.s32 $0x20, s19;
	s31 =	simm.s32 $0x7700  }
0x166: {  	[hbm4b:s30+s2] =	stream.linear.scatter [tilespmem:s31], [sflag:$0x2], $0x80, $0x38;
	[tilespmem:$0x8200] =	vst v63  }
0x167: {  	s30 =	sadd.s32 $0x30, s19;
	s31 =	simm.s32 $0x7900  }
0x168: {  	[hbm4b:s30+s2] =	stream.linear.scatter [tilespmem:s31], [sflag:$0x2], $0x80, $0x38;
	[tilespmem:$0x8200] =	vst v63  }
0x169: {  	s30 =	sadd.s32 $0x40, s19;
	s31 =	simm.s32 $0x7B00  }
0x16a: {  	[hbm4b:s30+s2] =	stream.linear.scatter [tilespmem:s31], [sflag:$0x2], $0x80, $0x38;
	[tilespmem:$0x8200] =	vst v63  }
0x16b: {  	s30 =	sadd.s32 $0x50, s19;
	s31 =	simm.s32 $0x7D00  }
0x16c: {  	[hbm4b:s30+s2] =	stream.linear.scatter [tilespmem:s31], [sflag:$0x2], $0x80, $0x38;
	[tilespmem:$0x8200] =	vst v63  }
0x16d: {  	s30 =	sadd.s32 $0x60, s19;
	s31 =	simm.s32 $0x7F00  }
0x16e: {  	[hbm4b:s30+s2] =	stream.linear.scatter [tilespmem:s31], [sflag:$0x2], $0x80, $0x38;
	[tilespmem:$0x8200] =	vst v63  }
0x16f: {  	s30 =	sadd.s32 $0x70, s19;
	s31 =	simm.s32 $0x8100  }
0x170: {  	[hbm4b:s30+s2] =	stream.linear.scatter [tilespmem:s31], [sflag:$0x2], $0x80, $0x38;
	[tilespmem:$0x8200] =	vst v63  }
0x171: {  	s1 =	simm.s32 $0x7380  }
0x172: {  	[hbm4b:s20+s2] =	stream.linear.scatter [tilespmem:s1], [sflag:$0x2], $0x80, $0x38;
	[tilespmem:$0x8200] =	vst v63  }
0x173: {  	s30 =	sadd.s32 $0x10, s20;
	s31 =	simm.s32 $0x7580  }
0x174: {  	[hbm4b:s30+s2] =	stream.linear.scatter [tilespmem:s31], [sflag:$0x2], $0x80, $0x38;
	[tilespmem:$0x8200] =	vst v63  }
0x175: {  	s30 =	sadd.s32 $0x20, s20;
	s31 =	simm.s32 $0x7780  }
0x176: {  	[hbm4b:s30+s2] =	stream.linear.scatter [tilespmem:s31], [sflag:$0x2], $0x80, $0x38;
	[tilespmem:$0x8200] =	vst v63  }
0x177: {  	s30 =	sadd.s32 $0x30, s20;
	s31 =	simm.s32 $0x7980  }
0x178: {  	[hbm4b:s30+s2] =	stream.linear.scatter [tilespmem:s31], [sflag:$0x2], $0x80, $0x38;
	[tilespmem:$0x8200] =	vst v63  }
0x179: {  	s30 =	sadd.s32 $0x40, s20;
	s31 =	simm.s32 $0x7B80  }
0x17a: {  	[hbm4b:s30+s2] =	stream.linear.scatter [tilespmem:s31], [sflag:$0x2], $0x80, $0x38;
	[tilespmem:$0x8200] =	vst v63  }
0x17b: {  	s30 =	sadd.s32 $0x50, s20;
	s31 =	simm.s32 $0x7D80  }
0x17c: {  	[hbm4b:s30+s2] =	stream.linear.scatter [tilespmem:s31], [sflag:$0x2], $0x80, $0x38;
	[tilespmem:$0x8200] =	vst v63  }
0x17d: {  	s1 =	sadd.s32 $0x60, s20;
	s30 =	simm.s32 $0x7F80  }
0x17e: {  	[hbm4b:s1+s2] =	stream.linear.scatter [tilespmem:s30], [sflag:$0x2], $0x80, $0x38;
	[tilespmem:$0x8200] =	vst v63  }
0x17f: {  	s31 =	sadd.s32 $0x70, s20  }
0x180: {  	[hbm4b:s31+s2] =	stream.linear.scatter [tilespmem:s26], [sflag:$0x2], $0x80, $0x38;
	[tilespmem:$0x8200] =	vst v63  }
0x181: {  	_ =	swait.ge [sflag:s28], $0x400  }
0x182: {  	[sflag:s28] =	ssyncset.done $0x0  }
0x183: {  	[sflag:s28] =	ssyncadd.s32 $0xFFFFFC00  }
0x184: {  	_ =	swait.ge [sflag:s28], $0x400  }
0x185: {  	[sflag:s28] =	ssyncset.done $0x0  }
0x186: {  	[sflag:s28] =	ssyncadd.s32 $0xFFFFFC00  }
0x187: {  	_ =	swait.ge [sflag:s28], $0x400  }
0x188: {  	[sflag:s28] =	ssyncset.done $0x0  }
0x189: {  	[sflag:s28] =	ssyncadd.s32 $0xFFFFFC00  }
0x18a: {  	_ =	swait.ge [sflag:s28], $0x400  }
0x18b: {  	[sflag:s28] =	ssyncset.done $0x0  }
0x18c: {  	[sflag:s28] =	ssyncadd.s32 $0xFFFFFC00  }
0x18d: {  	_ =	swait.ge [sflag:s28], $0x400  }
0x18e: {  	[sflag:s28] =	ssyncset.done $0x0  }
0x18f: {  	[sflag:s28] =	ssyncadd.s32 $0xFFFFFC00  }
0x190: {  	_ =	swait.ge [sflag:s28], $0x400  }
0x191: {  	[sflag:s28] =	ssyncset.done $0x0  }
0x192: {  	[sflag:s28] =	ssyncadd.s32 $0xFFFFFC00  }
0x193: {  	_ =	swait.ge [sflag:s28], $0x400  }
0x194: {  	[sflag:s28] =	ssyncset.done $0x0  }
0x195: {  	[sflag:s28] =	ssyncadd.s32 $0xFFFFFC00  }
0x196: {  	_ =	swait.ge [sflag:s28], $0x400  }
0x197: {  	[sflag:s28] =	ssyncset.done $0x0  }
0x198: {  	[sflag:s28] =	ssyncadd.s32 $0xFFFFFC00  }
0x199: {  	_ =	swait.ge [sflag:s28], $0x400  }
0x19a: {  	[sflag:s28] =	ssyncset.done $0x0  }
0x19b: {  	[sflag:s28] =	ssyncadd.s32 $0xFFFFFC00  }
0x19c: {  	_ =	swait.ge [sflag:s28], $0x400  }
0x19d: {  	[sflag:s28] =	ssyncset.done $0x0  }
0x19e: {  	[sflag:s28] =	ssyncadd.s32 $0xFFFFFC00  }
0x19f: {  	_ =	swait.ge [sflag:s28], $0x400  }
0x1a0: {  	[sflag:s28] =	ssyncset.done $0x0  }
0x1a1: {  	[sflag:s28] =	ssyncadd.s32 $0xFFFFFC00  }
0x1a2: {  	_ =	swait.ge [sflag:s28], $0x400  }
0x1a3: {  	[sflag:s28] =	ssyncset.done $0x0  }
0x1a4: {  	[sflag:s28] =	ssyncadd.s32 $0xFFFFFC00  }
0x1a5: {  	_ =	swait.ge [sflag:s28], $0x400  }
0x1a6: {  	[sflag:s28] =	ssyncset.done $0x0  }
0x1a7: {  	[sflag:s28] =	ssyncadd.s32 $0xFFFFFC00  }
0x1a8: {  	_ =	swait.ge [sflag:s28], $0x400  }
0x1a9: {  	[sflag:s28] =	ssyncset.done $0x0  }
0x1aa: {  	s29 =	sadd.s32 $0x1, s29;
	[sflag:s28] =	ssyncadd.s32 $0xFFFFFC00  }
0x1ab: {  	p0 =	sne.s32 s29, s21;
	_ =	swait.ge [sflag:s28], $0x400  }
.Ltmp2:
0x1ac: {  	[sflag:s28] =	ssyncset.done $0x0;
	(pc) =	sbr.rel @p0 .LBB2_1-.Ltmp2, $4  }
0x1ad: {  	[sflag:s28] =	ssyncadd.s32 $0xFFFFFC00  }
0x1ae: {  	_ =	swait.ge [sflag:s28], $0x400  }
0x1af: {  	[sflag:s28] =	ssyncset.done $0x0  }
0x1b0: {  	[sflag:s28] =	ssyncadd.s32 $0xFFFFFC00  }
0x1b1: {  	_ =	sfence.sel $0x180000  }
0x1b2: {  	[bflag:$0x0] =	sbarrier.arrive $0xFFFF  }
0x1b3: {  	_ =	strace $0x90000047  }
0x1b4: {  	s0 =	stileid.u32;
	[bflag:$0x2] =	sbarrier.arrive $0xFFFF  }
0x1b5: {  	p0 =	sne.s32 s0, $0x0;
	s0 =	rddreg [dreg:$0x3]  }
0x1b6: {  	s0 =	sadd.s32 @!p0 $0x100000, s0  }
0x1b7: {  	[sflag:s0] =	ssyncadd.tile.s32 @!p0 $0x1;
	_ =	shalt  }
.Lfunc_end2:
_tile_overlayer_lowered:
.L_overlay_start_2:
0x1b8: {  	(tag) =	ssettag $0x2  }
0x1b9: {  	s0 =	rddreg [dreg:$0x0];
	s2 =	stileid.u32  }
0x1ba: {  	s1 =	rddreg [dreg:$0x1];
	p0 =	sne.s32 s2, $0x0  }
0x1bb: {  	s3 =	rddreg [dreg:$0x2];
	[bflag:$0x3] =	sbarrier.arrive $0xFFFF;
	s2 =	simm.s32 @!p0 $0x1C03  }
0x1bc: {  	[timem:s3], [sflag:s2] =	dma.local @!p0 [hbm:s0], s1  }
0x1bd: {  	s0 =	simm.s32 @!p0 $0x3  }
0x1be: {  	_ =	swait.ge @!p0 [sflag:s0], s1  }
0x1bf: {  	s1 =	ssub.s32 @!p0 $0x0, s1;
	[sflag:s0] =	ssyncset.done @!p0 $0x0  }
0x1c0: {  	[sflag:s0] =	ssyncadd.s32 @!p0 s1  }
0x1c1: {  	[bflag:$0x3] =	sbarrier.arrive $0xFFFF  }
0x1c2: {  	_ =	shalt  }

</sc_bundles>
